<compile_context>
chip_gen: v7x
topology: tpu7x:2x2x1
jax: 0.10.2.dev20260603
libtpu: 0.0.44.dev20260713+nightly
codegen_flags: <defaults>
</compile_context>

<pallas_src>
import functools

import jax
import jax.numpy as jnp
from jax import lax
from jax.experimental import pallas as pl
from jax.experimental.pallas import tpu as pltpu
from jax.experimental.pallas import tpu_sc as plsc

VOCAB = 1000
EMB = 128
B = 4096
L = 200
N = B * L

_info = plsc.get_sparse_core_info()
_NC = _info.num_cores
_NS = _info.num_subcores
NW = _NC * _NS
NB = N // NW
C = 128
NCHUNK = NB // C
NBUF = 5
PF = 2

_mesh = plsc.VectorSubcoreMesh(core_axis_name="c", subcore_axis_name="s")


@functools.partial(
    pl.kernel,
    mesh=_mesh,
    out_type=jax.ShapeDtypeStruct((N, EMB), jnp.float32),
    scratch_types=[
        pltpu.VMEM((NB,), jnp.int32),
        pltpu.VMEM((NBUF, C, EMB), jnp.float32),
        pltpu.VMEM_SHARED((VOCAB, EMB), jnp.float32),
        pltpu.SemaphoreType.DMA((NBUF,)),
        pltpu.SemaphoreType.DMA((NBUF,)),
        pltpu.SemaphoreType.DMA((NBUF,)),
    ],
)
def _visit_emb_add(idx_hbm, conc_hbm, table_hbm, out_hbm,
                   idx_v, buf_v, table_sh, ld_sem, gat_sem, st_sem):
    wid = lax.axis_index("s") * _NC + lax.axis_index("c")
    wbase = wid * NB

    @pl.when(lax.axis_index("s") == 0)
    def _stage_table():
        pltpu.sync_copy(table_hbm, table_sh)

    plsc.subcore_barrier()

    pltpu.sync_copy(idx_hbm.at[pl.ds(wbase, NB)], idx_v)

    def ld_copy(c, j):
        base = wbase + c * C
        return pltpu.make_async_copy(conc_hbm.at[pl.ds(base, C)], buf_v.at[j],
                                     ld_sem.at[j])

    def st_copy(c, j):
        base = wbase + c * C
        return pltpu.make_async_copy(buf_v.at[j], out_hbm.at[pl.ds(base, C)],
                                     st_sem.at[j])

    for j in range(PF):
        ld_copy(j, j).start()

    def body(g, carry):
        for j in range(NBUF):
            c = g * NBUF + j
            jp = (j + PF) % NBUF

            @pl.when(c + PF < NCHUNK)
            def _prefetch():
                @pl.when(c >= NBUF - PF)
                def _guard():
                    st_copy(c - (NBUF - PF), jp).wait()
                ld_copy(c + PF, jp).start()

            ld_copy(c, j).wait()
            pltpu.async_copy(table_sh.at[idx_v.at[pl.ds(c * C, C)]],
                             buf_v.at[j], gat_sem.at[j], add=True).wait()
            st_copy(c, j).start()
        return carry

    lax.fori_loop(0, NCHUNK // NBUF, body, 0)

    for j in range(NBUF):
        st_copy(j, j).wait()


def kernel(visit_orders, concept_embeddings, table):
    idx = visit_orders.astype(jnp.int32).reshape(N)
    conc = concept_embeddings.reshape(N, EMB)
    out = _visit_emb_add(idx, conc, table)
    return out.reshape(B, L, EMB)

# --- scband reference (transcript-rebuilt; emitter-appended) ---
"""Pipeline reference for scband-visit-embedding-layer-25348896981002 (READ-ONLY COPY).

The authoritative reference and input builder live on the scoring server;
editing this copy changes nothing except your own understanding.
"""

import jax, jax.numpy as jnp
import numpy as np

VOCAB = 1000
EMB = 128
B = 4096
L = 200


def setup_inputs(seed: int = 0) -> dict:
    key = jax.random.key(seed)
    k1, k2, k3 = jax.random.split(key, 3)
    visit_orders = jax.random.randint(k1, (B, L), 0, VOCAB, dtype=jnp.int64)
    concept_embeddings = jax.random.normal(k2, (B, L, EMB), dtype=jnp.float32)
    # Keras Embedding default init: uniform(-0.05, 0.05)
    table = jax.random.uniform(k3, (VOCAB, EMB), dtype=jnp.float32, minval=-0.05, maxval=0.05)
    return {"visit_orders": visit_orders, "concept_embeddings": concept_embeddings, "table": table}


def reference(visit_orders, concept_embeddings, table):
    # Embedding lookup (gather) + elementwise add, faithful to the Keras layer
    visit_emb = jnp.take(table, visit_orders, axis=0)  # [B, L, EMB]
    return visit_emb + concept_embeddings

if __name__ == "__main__":
    import jax
    _d = setup_inputs()
    print(jax.jit(kernel)(*tuple(_d.values())))

</pallas_src>

<mosaic_0001>
#map = affine_map<(d0, d1) -> (0)>
#map1 = affine_map<(d0, d1) -> (0, 0)>
module attributes {stable_mosaic.version = 14 : i64} {
  func.func @_visit_emb_add(%arg0: i32, %arg1: i32, %arg2: memref<819200xi32, #tpu.memory_space<hbm>>, %arg3: memref<819200x128xf32, #tpu.memory_space<hbm>>, %arg4: memref<1000x128xf32, #tpu.memory_space<hbm>>, %arg5: memref<819200x128xf32, #tpu.memory_space<hbm>>, %arg6: memref<25600xi32, #tpu.memory_space<vmem>>, %arg7: memref<5x128x128xf32, #tpu.memory_space<vmem>>, %arg8: memref<1000x128xf32, #tpu.memory_space<vmem_shared>>, %arg9: memref<5x!tpu.dma_semaphore, #tpu.memory_space<semaphore_mem>>, %arg10: memref<5x!tpu.dma_semaphore, #tpu.memory_space<semaphore_mem>>, %arg11: memref<5x!tpu.dma_semaphore, #tpu.memory_space<semaphore_mem>>) attributes {dimension_semantics = [#tpu.dimension_semantics<core_parallel>, #tpu.dimension_semantics<subcore_parallel>], iteration_bounds = array<i64: 2, 16>, scalar_prefetch = 0 : i64, scratch_operands = 6 : i64, tpu.core_type = #tpu.core_type<sc_vector_subcore>, window_params = [{transform_indices = #map}, {transform_indices = #map1}, {transform_indices = #map1}, {transform_indices = #map1}]} {
    %mul3A = arith.constant 2 : i32
    %mul3A_0 = arith.muli %arg1, %mul3A : i32
    %add3A = arith.addi %mul3A_0, %arg0 : i32
    %mul3A_1 = arith.constant 25600 : i32
    %mul3A_2 = arith.muli %add3A, %mul3A_1 : i32
    %eq3A = arith.constant 0 : i32
    %eq3A_3 = arith.cmpi eq, %arg1, %eq3A : i32
    %convert_element_type3A = arith.extui %eq3A_3 : i1 to i32
    %cond3A = arith.constant 0 : i32
    %cond3A_4 = arith.cmpi ne, %convert_element_type3A, %cond3A : i32
    scf.if %cond3A_4 {
      "tpu.region"() ({
        %run_scoped3A = tpu.sem_alloc : memref<!tpu.dma_semaphore, #tpu.memory_space<semaphore_mem>>
        tpu.enqueue_dma source(%arg4 : memref<1000x128xf32, #tpu.memory_space<hbm>>) target(%arg8 : memref<1000x128xf32, #tpu.memory_space<vmem_shared>>) target_semaphore(%run_scoped3A : memref<!tpu.dma_semaphore, #tpu.memory_space<semaphore_mem>>)
        tpu.wait_dma2 semaphore(%run_scoped3A : memref<!tpu.dma_semaphore, #tpu.memory_space<semaphore_mem>>) src(%arg4 : memref<1000x128xf32, #tpu.memory_space<hbm>>) dst(%arg8 : memref<1000x128xf32, #tpu.memory_space<vmem_shared>>)
        tpu.yield
      }) : () -> ()
    } else {
    }
    %barrier3A = arith.constant 0 : index
    tpu.barrier barrier_id(%barrier3A)
    "tpu.region"() ({
      %run_scoped3A = tpu.sem_alloc : memref<!tpu.dma_semaphore, #tpu.memory_space<semaphore_mem>>
      %dma_start3A_134 = tpu.memref_slice %arg2[%mul3A_2] : memref<819200xi32, #tpu.memory_space<hbm>> -> memref<25600xi32, #tpu.memory_space<hbm>>
      %dma_start3A_135 = tpu.memref_slice %arg2[%mul3A_2] : memref<819200xi32, #tpu.memory_space<hbm>> -> memref<25600xi32, #tpu.memory_space<hbm>>
      tpu.enqueue_dma source(%dma_start3A_135 : memref<25600xi32, #tpu.memory_space<hbm>>) target(%arg6 : memref<25600xi32, #tpu.memory_space<vmem>>) target_semaphore(%run_scoped3A : memref<!tpu.dma_semaphore, #tpu.memory_space<semaphore_mem>>)
      %dma_wait3A_136 = tpu.memref_slice %arg2[%mul3A_2] : memref<819200xi32, #tpu.memory_space<hbm>> -> memref<25600xi32, #tpu.memory_space<hbm>>
      %dma_wait3A_137 = tpu.memref_slice %arg2[%mul3A_2] : memref<819200xi32, #tpu.memory_space<hbm>> -> memref<25600xi32, #tpu.memory_space<hbm>>
      tpu.wait_dma2 semaphore(%run_scoped3A : memref<!tpu.dma_semaphore, #tpu.memory_space<semaphore_mem>>) src(%dma_wait3A_137 : memref<25600xi32, #tpu.memory_space<hbm>>) dst(%arg6 : memref<25600xi32, #tpu.memory_space<vmem>>)
      tpu.yield
    }) : () -> ()
    %add3A_5 = arith.constant 0 : i32
    %add3A_6 = arith.addi %mul3A_2, %add3A_5 : i32
    %dma_start3A = arith.constant 0 : i32
    %dma_start3A_7 = arith.constant 0 : i32
    %dma_start3A_8 = arith.constant 0 : i32
    %dma_start3A_9 = arith.constant 0 : i32
    %dma_start3A_10 = tpu.memref_slice %arg7[%dma_start3A, %dma_start3A_8, %dma_start3A_9] : memref<5x128x128xf32, #tpu.memory_space<vmem>> -> memref<1x128x128xf32, #tpu.memory_space<vmem>>
    %dma_start3A_11 = tpu.memref_squeeze %dma_start3A_10 : memref<1x128x128xf32, #tpu.memory_space<vmem>> -> memref<128x128xf32, #tpu.memory_space<vmem>>
    %dma_start3A_12 = arith.constant 0 : i32
    %dma_start3A_13 = tpu.memref_slice %arg3[%add3A_6, %dma_start3A_12] : memref<819200x128xf32, #tpu.memory_space<hbm>> -> memref<128x128xf32, #tpu.memory_space<hbm>>
    %dma_start3A_14 = tpu.memref_slice %arg9[%dma_start3A_7] : memref<5x!tpu.dma_semaphore, #tpu.memory_space<semaphore_mem>> -> memref<1x!tpu.dma_semaphore, #tpu.memory_space<semaphore_mem>>
    %dma_start3A_15 = tpu.memref_squeeze %dma_start3A_14 : memref<1x!tpu.dma_semaphore, #tpu.memory_space<semaphore_mem>> -> memref<!tpu.dma_semaphore, #tpu.memory_space<semaphore_mem>>
    %dma_start3A_16 = arith.constant 0 : i32
    %dma_start3A_17 = arith.constant 0 : i32
    %dma_start3A_18 = tpu.memref_slice %arg7[%dma_start3A, %dma_start3A_16, %dma_start3A_17] : memref<5x128x128xf32, #tpu.memory_space<vmem>> -> memref<1x128x128xf32, #tpu.memory_space<vmem>>
    %dma_start3A_19 = tpu.memref_squeeze %dma_start3A_18 : memref<1x128x128xf32, #tpu.memory_space<vmem>> -> memref<128x128xf32, #tpu.memory_space<vmem>>
    %dma_start3A_20 = arith.constant 0 : i32
    %dma_start3A_21 = tpu.memref_slice %arg3[%add3A_6, %dma_start3A_20] : memref<819200x128xf32, #tpu.memory_space<hbm>> -> memref<128x128xf32, #tpu.memory_space<hbm>>
    tpu.enqueue_dma source(%dma_start3A_21 : memref<128x128xf32, #tpu.memory_space<hbm>>) target(%dma_start3A_19 : memref<128x128xf32, #tpu.memory_space<vmem>>) target_semaphore(%dma_start3A_15 : memref<!tpu.dma_semaphore, #tpu.memory_space<semaphore_mem>>)
    %add3A_22 = arith.constant 128 : i32
    %add3A_23 = arith.addi %mul3A_2, %add3A_22 : i32
    %dma_start3A_24 = arith.constant 1 : i32
    %dma_start3A_25 = arith.constant 1 : i32
    %dma_start3A_26 = arith.constant 0 : i32
    %dma_start3A_27 = arith.constant 0 : i32
    %dma_start3A_28 = tpu.memref_slice %arg7[%dma_start3A_24, %dma_start3A_26, %dma_start3A_27] : memref<5x128x128xf32, #tpu.memory_space<vmem>> -> memref<1x128x128xf32, #tpu.memory_space<vmem>>
    %dma_start3A_29 = tpu.memref_squeeze %dma_start3A_28 : memref<1x128x128xf32, #tpu.memory_space<vmem>> -> memref<128x128xf32, #tpu.memory_space<vmem>>
    %dma_start3A_30 = arith.constant 0 : i32
    %dma_start3A_31 = tpu.memref_slice %arg3[%add3A_23, %dma_start3A_30] : memref<819200x128xf32, #tpu.memory_space<hbm>> -> memref<128x128xf32, #tpu.memory_space<hbm>>
    %dma_start3A_32 = tpu.memref_slice %arg9[%dma_start3A_25] : memref<5x!tpu.dma_semaphore, #tpu.memory_space<semaphore_mem>> -> memref<1x!tpu.dma_semaphore, #tpu.memory_space<semaphore_mem>>
    %dma_start3A_33 = tpu.memref_squeeze %dma_start3A_32 : memref<1x!tpu.dma_semaphore, #tpu.memory_space<semaphore_mem>> -> memref<!tpu.dma_semaphore, #tpu.memory_space<semaphore_mem>>
    %dma_start3A_34 = arith.constant 0 : i32
    %dma_start3A_35 = arith.constant 0 : i32
    %dma_start3A_36 = tpu.memref_slice %arg7[%dma_start3A_24, %dma_start3A_34, %dma_start3A_35] : memref<5x128x128xf32, #tpu.memory_space<vmem>> -> memref<1x128x128xf32, #tpu.memory_space<vmem>>
    %dma_start3A_37 = tpu.memref_squeeze %dma_start3A_36 : memref<1x128x128xf32, #tpu.memory_space<vmem>> -> memref<128x128xf32, #tpu.memory_space<vmem>>
    %dma_start3A_38 = arith.constant 0 : i32
    %dma_start3A_39 = tpu.memref_slice %arg3[%add3A_23, %dma_start3A_38] : memref<819200x128xf32, #tpu.memory_space<hbm>> -> memref<128x128xf32, #tpu.memory_space<hbm>>
    tpu.enqueue_dma source(%dma_start3A_39 : memref<128x128xf32, #tpu.memory_space<hbm>>) target(%dma_start3A_37 : memref<128x128xf32, #tpu.memory_space<vmem>>) target_semaphore(%dma_start3A_33 : memref<!tpu.dma_semaphore, #tpu.memory_space<semaphore_mem>>)
    %scan3A = arith.constant 0 : i32
    %scan3A_40 = arith.constant 0 : i32
    %scan3A_41 = arith.constant 40 : i32
    %scan3A_42 = arith.addi %scan3A_40, %scan3A_41 : i32
    %scan3A_43 = arith.constant 1 : i32
    scf.for %scan3A_134 = %scan3A_40 to %scan3A_42 step %scan3A_43  : i32 {
      %mul3A_135 = arith.constant 5 : i32
      %mul3A_136 = arith.muli %scan3A_134, %mul3A_135 : i32
      %add3A_137 = arith.constant 0 : i32
      %add3A_138 = arith.addi %mul3A_136, %add3A_137 : i32
      %add3A_139 = arith.constant 2 : i32
      %add3A_140 = arith.addi %add3A_138, %add3A_139 : i32
      %lt3A = arith.constant 200 : i32
      %lt3A_141 = arith.cmpi slt, %add3A_140, %lt3A : i32
      %convert_element_type3A_142 = arith.extui %lt3A_141 : i1 to i32
      %cond3A_143 = arith.constant 0 : i32
      %cond3A_144 = arith.cmpi ne, %convert_element_type3A_142, %cond3A_143 : i32
      scf.if %cond3A_144 {
        %ge3A = arith.constant 3 : i32
        %ge3A_509 = arith.cmpi sge, %add3A_138, %ge3A : i32
        %convert_element_type3A_510 = arith.extui %ge3A_509 : i1 to i32
        %cond3A_511 = arith.constant 0 : i32
        %cond3A_512 = arith.cmpi ne, %convert_element_type3A_510, %cond3A_511 : i32
        scf.if %cond3A_512 {
          %sub3A = arith.constant 3 : i32
          %sub3A_534 = arith.subi %add3A_138, %sub3A : i32
          %mul3A_535 = arith.constant 128 : i32
          %mul3A_536 = arith.muli %sub3A_534, %mul3A_535 : i32
          %add3A_537 = arith.addi %mul3A_2, %mul3A_536 : i32
          %dma_wait3A_538 = arith.constant 2 : i32
          %dma_wait3A_539 = arith.constant 2 : i32
          %dma_wait3A_540 = arith.constant 0 : i32
          %dma_wait3A_541 = arith.constant 0 : i32
          %dma_wait3A_542 = tpu.memref_slice %arg7[%dma_wait3A_538, %dma_wait3A_540, %dma_wait3A_541] : memref<5x128x128xf32, #tpu.memory_space<vmem>> -> memref<1x128x128xf32, #tpu.memory_space<vmem>>
          %dma_wait3A_543 = tpu.memref_squeeze %dma_wait3A_542 : memref<1x128x128xf32, #tpu.memory_space<vmem>> -> memref<128x128xf32, #tpu.memory_space<vmem>>
          %dma_wait3A_544 = arith.constant 0 : i32
          %dma_wait3A_545 = tpu.memref_slice %arg5[%add3A_537, %dma_wait3A_544] : memref<819200x128xf32, #tpu.memory_space<hbm>> -> memref<128x128xf32, #tpu.memory_space<hbm>>
          %dma_wait3A_546 = tpu.memref_slice %arg11[%dma_wait3A_539] : memref<5x!tpu.dma_semaphore, #tpu.memory_space<semaphore_mem>> -> memref<1x!tpu.dma_semaphore, #tpu.memory_space<semaphore_mem>>
          %dma_wait3A_547 = tpu.memref_squeeze %dma_wait3A_546 : memref<1x!tpu.dma_semaphore, #tpu.memory_space<semaphore_mem>> -> memref<!tpu.dma_semaphore, #tpu.memory_space<semaphore_mem>>
          %dma_wait3A_548 = arith.constant 0 : i32
          %dma_wait3A_549 = tpu.memref_slice %arg5[%add3A_537, %dma_wait3A_548] : memref<819200x128xf32, #tpu.memory_space<hbm>> -> memref<128x128xf32, #tpu.memory_space<hbm>>
          %dma_wait3A_550 = arith.constant 0 : i32
          %dma_wait3A_551 = arith.constant 0 : i32
          %dma_wait3A_552 = tpu.memref_slice %arg7[%dma_wait3A_538, %dma_wait3A_550, %dma_wait3A_551] : memref<5x128x128xf32, #tpu.memory_space<vmem>> -> memref<1x128x128xf32, #tpu.memory_space<vmem>>
          %dma_wait3A_553 = tpu.memref_squeeze %dma_wait3A_552 : memref<1x128x128xf32, #tpu.memory_space<vmem>> -> memref<128x128xf32, #tpu.memory_space<vmem>>
          tpu.wait_dma2 semaphore(%dma_wait3A_547 : memref<!tpu.dma_semaphore, #tpu.memory_space<semaphore_mem>>) src(%dma_wait3A_553 : memref<128x128xf32, #tpu.memory_space<vmem>>) dst(%dma_wait3A_549 : memref<128x128xf32, #tpu.memory_space<hbm>>)
        } else {
        }
        %add3A_513 = arith.constant 2 : i32
        %add3A_514 = arith.addi %add3A_138, %add3A_513 : i32
        %mul3A_515 = arith.constant 128 : i32
        %mul3A_516 = arith.muli %add3A_514, %mul3A_515 : i32
        %add3A_517 = arith.addi %mul3A_2, %mul3A_516 : i32
        %dma_start3A_518 = arith.constant 2 : i32
        %dma_start3A_519 = arith.constant 2 : i32
        %dma_start3A_520 = arith.constant 0 : i32
        %dma_start3A_521 = arith.constant 0 : i32
        %dma_start3A_522 = tpu.memref_slice %arg7[%dma_start3A_518, %dma_start3A_520, %dma_start3A_521] : memref<5x128x128xf32, #tpu.memory_space<vmem>> -> memref<1x128x128xf32, #tpu.memory_space<vmem>>
        %dma_start3A_523 = tpu.memref_squeeze %dma_start3A_522 : memref<1x128x128xf32, #tpu.memory_space<vmem>> -> memref<128x128xf32, #tpu.memory_space<vmem>>
        %dma_start3A_524 = arith.constant 0 : i32
        %dma_start3A_525 = tpu.memref_slice %arg3[%add3A_517, %dma_start3A_524] : memref<819200x128xf32, #tpu.memory_space<hbm>> -> memref<128x128xf32, #tpu.memory_space<hbm>>
        %dma_start3A_526 = tpu.memref_slice %arg9[%dma_start3A_519] : memref<5x!tpu.dma_semaphore, #tpu.memory_space<semaphore_mem>> -> memref<1x!tpu.dma_semaphore, #tpu.memory_space<semaphore_mem>>
        %dma_start3A_527 = tpu.memref_squeeze %dma_start3A_526 : memref<1x!tpu.dma_semaphore, #tpu.memory_space<semaphore_mem>> -> memref<!tpu.dma_semaphore, #tpu.memory_space<semaphore_mem>>
        %dma_start3A_528 = arith.constant 0 : i32
        %dma_start3A_529 = arith.constant 0 : i32
        %dma_start3A_530 = tpu.memref_slice %arg7[%dma_start3A_518, %dma_start3A_528, %dma_start3A_529] : memref<5x128x128xf32, #tpu.memory_space<vmem>> -> memref<1x128x128xf32, #tpu.memory_space<vmem>>
        %dma_start3A_531 = tpu.memref_squeeze %dma_start3A_530 : memref<1x128x128xf32, #tpu.memory_space<vmem>> -> memref<128x128xf32, #tpu.memory_space<vmem>>
        %dma_start3A_532 = arith.constant 0 : i32
        %dma_start3A_533 = tpu.memref_slice %arg3[%add3A_517, %dma_start3A_532] : memref<819200x128xf32, #tpu.memory_space<hbm>> -> memref<128x128xf32, #tpu.memory_space<hbm>>
        tpu.enqueue_dma source(%dma_start3A_533 : memref<128x128xf32, #tpu.memory_space<hbm>>) target(%dma_start3A_531 : memref<128x128xf32, #tpu.memory_space<vmem>>) target_semaphore(%dma_start3A_527 : memref<!tpu.dma_semaphore, #tpu.memory_space<semaphore_mem>>)
      } else {
      }
      %mul3A_145 = arith.constant 128 : i32
      %mul3A_146 = arith.muli %add3A_138, %mul3A_145 : i32
      %add3A_147 = arith.addi %mul3A_2, %mul3A_146 : i32
      %dma_wait3A_148 = arith.constant 0 : i32
      %dma_wait3A_149 = arith.constant 0 : i32
      %dma_wait3A_150 = arith.constant 0 : i32
      %dma_wait3A_151 = arith.constant 0 : i32
      %dma_wait3A_152 = tpu.memref_slice %arg7[%dma_wait3A_148, %dma_wait3A_150, %dma_wait3A_151] : memref<5x128x128xf32, #tpu.memory_space<vmem>> -> memref<1x128x128xf32, #tpu.memory_space<vmem>>
      %dma_wait3A_153 = tpu.memref_squeeze %dma_wait3A_152 : memref<1x128x128xf32, #tpu.memory_space<vmem>> -> memref<128x128xf32, #tpu.memory_space<vmem>>
      %dma_wait3A_154 = arith.constant 0 : i32
      %dma_wait3A_155 = tpu.memref_slice %arg3[%add3A_147, %dma_wait3A_154] : memref<819200x128xf32, #tpu.memory_space<hbm>> -> memref<128x128xf32, #tpu.memory_space<hbm>>
      %dma_wait3A_156 = tpu.memref_slice %arg9[%dma_wait3A_149] : memref<5x!tpu.dma_semaphore, #tpu.memory_space<semaphore_mem>> -> memref<1x!tpu.dma_semaphore, #tpu.memory_space<semaphore_mem>>
      %dma_wait3A_157 = tpu.memref_squeeze %dma_wait3A_156 : memref<1x!tpu.dma_semaphore, #tpu.memory_space<semaphore_mem>> -> memref<!tpu.dma_semaphore, #tpu.memory_space<semaphore_mem>>
      %dma_wait3A_158 = arith.constant 0 : i32
      %dma_wait3A_159 = arith.constant 0 : i32
      %dma_wait3A_160 = tpu.memref_slice %arg7[%dma_wait3A_148, %dma_wait3A_158, %dma_wait3A_159] : memref<5x128x128xf32, #tpu.memory_space<vmem>> -> memref<1x128x128xf32, #tpu.memory_space<vmem>>
      %dma_wait3A_161 = tpu.memref_squeeze %dma_wait3A_160 : memref<1x128x128xf32, #tpu.memory_space<vmem>> -> memref<128x128xf32, #tpu.memory_space<vmem>>
      %dma_wait3A_162 = arith.constant 0 : i32
      %dma_wait3A_163 = tpu.memref_slice %arg3[%add3A_147, %dma_wait3A_162] : memref<819200x128xf32, #tpu.memory_space<hbm>> -> memref<128x128xf32, #tpu.memory_space<hbm>>
      tpu.wait_dma2 semaphore(%dma_wait3A_157 : memref<!tpu.dma_semaphore, #tpu.memory_space<semaphore_mem>>) src(%dma_wait3A_163 : memref<128x128xf32, #tpu.memory_space<hbm>>) dst(%dma_wait3A_161 : memref<128x128xf32, #tpu.memory_space<vmem>>)
      %mul3A_164 = arith.constant 128 : i32
      %mul3A_165 = arith.muli %add3A_138, %mul3A_164 : i32
      %dma_start3A_166 = arith.constant 0 : i32
      %dma_start3A_167 = arith.constant 0 : i32
      %dma_start3A_168 = arith.constant 0 : i32
      %dma_start3A_169 = arith.constant 0 : i32
      %dma_start3A_170 = tpu.memref_slice %arg7[%dma_start3A_166, %dma_start3A_168, %dma_start3A_169] : memref<5x128x128xf32, #tpu.memory_space<vmem>> -> memref<1x128x128xf32, #tpu.memory_space<vmem>>
      %dma_start3A_171 = tpu.memref_squeeze %dma_start3A_170 : memref<1x128x128xf32, #tpu.memory_space<vmem>> -> memref<128x128xf32, #tpu.memory_space<vmem>>
      %dma_start3A_172 = tpu.memref_slice %arg6[%mul3A_165] : memref<25600xi32, #tpu.memory_space<vmem>> -> memref<128xi32, #tpu.memory_space<vmem>>
      %dma_start3A_173 = arith.constant 0 : i32
      %dma_start3A_174 = arith.constant 0 : i32
      %dma_start3A_175 = tpu.memref_slice %arg8[%dma_start3A_173, %dma_start3A_174] : memref<1000x128xf32, #tpu.memory_space<vmem_shared>> -> memref<1000x128xf32, #tpu.memory_space<vmem_shared>>
      %dma_start3A_176 = tpu.memref_slice %arg10[%dma_start3A_167] : memref<5x!tpu.dma_semaphore, #tpu.memory_space<semaphore_mem>> -> memref<1x!tpu.dma_semaphore, #tpu.memory_space<semaphore_mem>>
      %dma_start3A_177 = tpu.memref_squeeze %dma_start3A_176 : memref<1x!tpu.dma_semaphore, #tpu.memory_space<semaphore_mem>> -> memref<!tpu.dma_semaphore, #tpu.memory_space<semaphore_mem>>
      tpu.enqueue_indirect_dma source(%dma_start3A_175 : memref<1000x128xf32, #tpu.memory_space<vmem_shared>>) target(%dma_start3A_171 : memref<128x128xf32, #tpu.memory_space<vmem>>) offsets(%dma_start3A_172 : memref<128xi32, #tpu.memory_space<vmem>>) semaphore(%dma_start3A_177 : memref<!tpu.dma_semaphore, #tpu.memory_space<semaphore_mem>>) {add = true}
      %dma_wait3A_178 = arith.constant 0 : i32
      %dma_wait3A_179 = arith.constant 0 : i32
      %dma_wait3A_180 = arith.constant 0 : i32
      %dma_wait3A_181 = arith.constant 0 : i32
      %dma_wait3A_182 = tpu.memref_slice %arg7[%dma_wait3A_178, %dma_wait3A_180, %dma_wait3A_181] : memref<5x128x128xf32, #tpu.memory_space<vmem>> -> memref<1x128x128xf32, #tpu.memory_space<vmem>>
      %dma_wait3A_183 = tpu.memref_squeeze %dma_wait3A_182 : memref<1x128x128xf32, #tpu.memory_space<vmem>> -> memref<128x128xf32, #tpu.memory_space<vmem>>
      %dma_wait3A_184 = tpu.memref_slice %arg6[%mul3A_165] : memref<25600xi32, #tpu.memory_space<vmem>> -> memref<128xi32, #tpu.memory_space<vmem>>
      %dma_wait3A_185 = arith.constant 0 : i32
      %dma_wait3A_186 = arith.constant 0 : i32
      %dma_wait3A_187 = tpu.memref_slice %arg8[%dma_wait3A_185, %dma_wait3A_186] : memref<1000x128xf32, #tpu.memory_space<vmem_shared>> -> memref<1000x128xf32, #tpu.memory_space<vmem_shared>>
      %dma_wait3A_188 = tpu.memref_slice %arg10[%dma_wait3A_179] : memref<5x!tpu.dma_semaphore, #tpu.memory_space<semaphore_mem>> -> memref<1x!tpu.dma_semaphore, #tpu.memory_space<semaphore_mem>>
      %dma_wait3A_189 = tpu.memref_squeeze %dma_wait3A_188 : memref<1x!tpu.dma_semaphore, #tpu.memory_space<semaphore_mem>> -> memref<!tpu.dma_semaphore, #tpu.memory_space<semaphore_mem>>
      tpu.wait_indirect_dma semaphore(%dma_wait3A_189 : memref<!tpu.dma_semaphore, #tpu.memory_space<semaphore_mem>>) src(%dma_wait3A_187 : memref<1000x128xf32, #tpu.memory_space<vmem_shared>>) dst(%dma_wait3A_183 : memref<128x128xf32, #tpu.memory_space<vmem>>)
      %mul3A_190 = arith.constant 128 : i32
      %mul3A_191 = arith.muli %add3A_138, %mul3A_190 : i32
      %add3A_192 = arith.addi %mul3A_2, %mul3A_191 : i32
      %dma_start3A_193 = arith.constant 0 : i32
      %dma_start3A_194 = arith.constant 0 : i32
      %dma_start3A_195 = arith.constant 0 : i32
      %dma_start3A_196 = arith.constant 0 : i32
      %dma_start3A_197 = tpu.memref_slice %arg7[%dma_start3A_193, %dma_start3A_195, %dma_start3A_196] : memref<5x128x128xf32, #tpu.memory_space<vmem>> -> memref<1x128x128xf32, #tpu.memory_space<vmem>>
      %dma_start3A_198 = tpu.memref_squeeze %dma_start3A_197 : memref<1x128x128xf32, #tpu.memory_space<vmem>> -> memref<128x128xf32, #tpu.memory_space<vmem>>
      %dma_start3A_199 = arith.constant 0 : i32
      %dma_start3A_200 = tpu.memref_slice %arg5[%add3A_192, %dma_start3A_199] : memref<819200x128xf32, #tpu.memory_space<hbm>> -> memref<128x128xf32, #tpu.memory_space<hbm>>
      %dma_start3A_201 = tpu.memref_slice %arg11[%dma_start3A_194] : memref<5x!tpu.dma_semaphore, #tpu.memory_space<semaphore_mem>> -> memref<1x!tpu.dma_semaphore, #tpu.memory_space<semaphore_mem>>
      %dma_start3A_202 = tpu.memref_squeeze %dma_start3A_201 : memref<1x!tpu.dma_semaphore, #tpu.memory_space<semaphore_mem>> -> memref<!tpu.dma_semaphore, #tpu.memory_space<semaphore_mem>>
      %dma_start3A_203 = arith.constant 0 : i32
      %dma_start3A_204 = tpu.memref_slice %arg5[%add3A_192, %dma_start3A_203] : memref<819200x128xf32, #tpu.memory_space<hbm>> -> memref<128x128xf32, #tpu.memory_space<hbm>>
      %dma_start3A_205 = arith.constant 0 : i32
      %dma_start3A_206 = arith.constant 0 : i32
      %dma_start3A_207 = tpu.memref_slice %arg7[%dma_start3A_193, %dma_start3A_205, %dma_start3A_206] : memref<5x128x128xf32, #tpu.memory_space<vmem>> -> memref<1x128x128xf32, #tpu.memory_space<vmem>>
      %dma_start3A_208 = tpu.memref_squeeze %dma_start3A_207 : memref<1x128x128xf32, #tpu.memory_space<vmem>> -> memref<128x128xf32, #tpu.memory_space<vmem>>
      tpu.enqueue_dma source(%dma_start3A_208 : memref<128x128xf32, #tpu.memory_space<vmem>>) target(%dma_start3A_204 : memref<128x128xf32, #tpu.memory_space<hbm>>) target_semaphore(%dma_start3A_202 : memref<!tpu.dma_semaphore, #tpu.memory_space<semaphore_mem>>)
      %mul3A_209 = arith.constant 5 : i32
      %mul3A_210 = arith.muli %scan3A_134, %mul3A_209 : i32
      %add3A_211 = arith.constant 1 : i32
      %add3A_212 = arith.addi %mul3A_210, %add3A_211 : i32
      %add3A_213 = arith.constant 2 : i32
      %add3A_214 = arith.addi %add3A_212, %add3A_213 : i32
      %lt3A_215 = arith.constant 200 : i32
      %lt3A_216 = arith.cmpi slt, %add3A_214, %lt3A_215 : i32
      %convert_element_type3A_217 = arith.extui %lt3A_216 : i1 to i32
      %cond3A_218 = arith.constant 0 : i32
      %cond3A_219 = arith.cmpi ne, %convert_element_type3A_217, %cond3A_218 : i32
      scf.if %cond3A_219 {
        %ge3A = arith.constant 3 : i32
        %ge3A_509 = arith.cmpi sge, %add3A_212, %ge3A : i32
        %convert_element_type3A_510 = arith.extui %ge3A_509 : i1 to i32
        %cond3A_511 = arith.constant 0 : i32
        %cond3A_512 = arith.cmpi ne, %convert_element_type3A_510, %cond3A_511 : i32
        scf.if %cond3A_512 {
          %sub3A = arith.constant 3 : i32
          %sub3A_534 = arith.subi %add3A_212, %sub3A : i32
          %mul3A_535 = arith.constant 128 : i32
          %mul3A_536 = arith.muli %sub3A_534, %mul3A_535 : i32
          %add3A_537 = arith.addi %mul3A_2, %mul3A_536 : i32
          %dma_wait3A_538 = arith.constant 3 : i32
          %dma_wait3A_539 = arith.constant 3 : i32
          %dma_wait3A_540 = arith.constant 0 : i32
          %dma_wait3A_541 = arith.constant 0 : i32
          %dma_wait3A_542 = tpu.memref_slice %arg7[%dma_wait3A_538, %dma_wait3A_540, %dma_wait3A_541] : memref<5x128x128xf32, #tpu.memory_space<vmem>> -> memref<1x128x128xf32, #tpu.memory_space<vmem>>
          %dma_wait3A_543 = tpu.memref_squeeze %dma_wait3A_542 : memref<1x128x128xf32, #tpu.memory_space<vmem>> -> memref<128x128xf32, #tpu.memory_space<vmem>>
          %dma_wait3A_544 = arith.constant 0 : i32
          %dma_wait3A_545 = tpu.memref_slice %arg5[%add3A_537, %dma_wait3A_544] : memref<819200x128xf32, #tpu.memory_space<hbm>> -> memref<128x128xf32, #tpu.memory_space<hbm>>
          %dma_wait3A_546 = tpu.memref_slice %arg11[%dma_wait3A_539] : memref<5x!tpu.dma_semaphore, #tpu.memory_space<semaphore_mem>> -> memref<1x!tpu.dma_semaphore, #tpu.memory_space<semaphore_mem>>
          %dma_wait3A_547 = tpu.memref_squeeze %dma_wait3A_546 : memref<1x!tpu.dma_semaphore, #tpu.memory_space<semaphore_mem>> -> memref<!tpu.dma_semaphore, #tpu.memory_space<semaphore_mem>>
          %dma_wait3A_548 = arith.constant 0 : i32
          %dma_wait3A_549 = tpu.memref_slice %arg5[%add3A_537, %dma_wait3A_548] : memref<819200x128xf32, #tpu.memory_space<hbm>> -> memref<128x128xf32, #tpu.memory_space<hbm>>
          %dma_wait3A_550 = arith.constant 0 : i32
          %dma_wait3A_551 = arith.constant 0 : i32
          %dma_wait3A_552 = tpu.memref_slice %arg7[%dma_wait3A_538, %dma_wait3A_550, %dma_wait3A_551] : memref<5x128x128xf32, #tpu.memory_space<vmem>> -> memref<1x128x128xf32, #tpu.memory_space<vmem>>
          %dma_wait3A_553 = tpu.memref_squeeze %dma_wait3A_552 : memref<1x128x128xf32, #tpu.memory_space<vmem>> -> memref<128x128xf32, #tpu.memory_space<vmem>>
          tpu.wait_dma2 semaphore(%dma_wait3A_547 : memref<!tpu.dma_semaphore, #tpu.memory_space<semaphore_mem>>) src(%dma_wait3A_553 : memref<128x128xf32, #tpu.memory_space<vmem>>) dst(%dma_wait3A_549 : memref<128x128xf32, #tpu.memory_space<hbm>>)
        } else {
        }
        %add3A_513 = arith.constant 2 : i32
        %add3A_514 = arith.addi %add3A_212, %add3A_513 : i32
        %mul3A_515 = arith.constant 128 : i32
        %mul3A_516 = arith.muli %add3A_514, %mul3A_515 : i32
        %add3A_517 = arith.addi %mul3A_2, %mul3A_516 : i32
        %dma_start3A_518 = arith.constant 3 : i32
        %dma_start3A_519 = arith.constant 3 : i32
        %dma_start3A_520 = arith.constant 0 : i32
        %dma_start3A_521 = arith.constant 0 : i32
        %dma_start3A_522 = tpu.memref_slice %arg7[%dma_start3A_518, %dma_start3A_520, %dma_start3A_521] : memref<5x128x128xf32, #tpu.memory_space<vmem>> -> memref<1x128x128xf32, #tpu.memory_space<vmem>>
        %dma_start3A_523 = tpu.memref_squeeze %dma_start3A_522 : memref<1x128x128xf32, #tpu.memory_space<vmem>> -> memref<128x128xf32, #tpu.memory_space<vmem>>
        %dma_start3A_524 = arith.constant 0 : i32
        %dma_start3A_525 = tpu.memref_slice %arg3[%add3A_517, %dma_start3A_524] : memref<819200x128xf32, #tpu.memory_space<hbm>> -> memref<128x128xf32, #tpu.memory_space<hbm>>
        %dma_start3A_526 = tpu.memref_slice %arg9[%dma_start3A_519] : memref<5x!tpu.dma_semaphore, #tpu.memory_space<semaphore_mem>> -> memref<1x!tpu.dma_semaphore, #tpu.memory_space<semaphore_mem>>
        %dma_start3A_527 = tpu.memref_squeeze %dma_start3A_526 : memref<1x!tpu.dma_semaphore, #tpu.memory_space<semaphore_mem>> -> memref<!tpu.dma_semaphore, #tpu.memory_space<semaphore_mem>>
        %dma_start3A_528 = arith.constant 0 : i32
        %dma_start3A_529 = arith.constant 0 : i32
        %dma_start3A_530 = tpu.memref_slice %arg7[%dma_start3A_518, %dma_start3A_528, %dma_start3A_529] : memref<5x128x128xf32, #tpu.memory_space<vmem>> -> memref<1x128x128xf32, #tpu.memory_space<vmem>>
        %dma_start3A_531 = tpu.memref_squeeze %dma_start3A_530 : memref<1x128x128xf32, #tpu.memory_space<vmem>> -> memref<128x128xf32, #tpu.memory_space<vmem>>
        %dma_start3A_532 = arith.constant 0 : i32
        %dma_start3A_533 = tpu.memref_slice %arg3[%add3A_517, %dma_start3A_532] : memref<819200x128xf32, #tpu.memory_space<hbm>> -> memref<128x128xf32, #tpu.memory_space<hbm>>
        tpu.enqueue_dma source(%dma_start3A_533 : memref<128x128xf32, #tpu.memory_space<hbm>>) target(%dma_start3A_531 : memref<128x128xf32, #tpu.memory_space<vmem>>) target_semaphore(%dma_start3A_527 : memref<!tpu.dma_semaphore, #tpu.memory_space<semaphore_mem>>)
      } else {
      }
      %mul3A_220 = arith.constant 128 : i32
      %mul3A_221 = arith.muli %add3A_212, %mul3A_220 : i32
      %add3A_222 = arith.addi %mul3A_2, %mul3A_221 : i32
      %dma_wait3A_223 = arith.constant 1 : i32
      %dma_wait3A_224 = arith.constant 1 : i32
      %dma_wait3A_225 = arith.constant 0 : i32
      %dma_wait3A_226 = arith.constant 0 : i32
      %dma_wait3A_227 = tpu.memref_slice %arg7[%dma_wait3A_223, %dma_wait3A_225, %dma_wait3A_226] : memref<5x128x128xf32, #tpu.memory_space<vmem>> -> memref<1x128x128xf32, #tpu.memory_space<vmem>>
      %dma_wait3A_228 = tpu.memref_squeeze %dma_wait3A_227 : memref<1x128x128xf32, #tpu.memory_space<vmem>> -> memref<128x128xf32, #tpu.memory_space<vmem>>
      %dma_wait3A_229 = arith.constant 0 : i32
      %dma_wait3A_230 = tpu.memref_slice %arg3[%add3A_222, %dma_wait3A_229] : memref<819200x128xf32, #tpu.memory_space<hbm>> -> memref<128x128xf32, #tpu.memory_space<hbm>>
      %dma_wait3A_231 = tpu.memref_slice %arg9[%dma_wait3A_224] : memref<5x!tpu.dma_semaphore, #tpu.memory_space<semaphore_mem>> -> memref<1x!tpu.dma_semaphore, #tpu.memory_space<semaphore_mem>>
      %dma_wait3A_232 = tpu.memref_squeeze %dma_wait3A_231 : memref<1x!tpu.dma_semaphore, #tpu.memory_space<semaphore_mem>> -> memref<!tpu.dma_semaphore, #tpu.memory_space<semaphore_mem>>
      %dma_wait3A_233 = arith.constant 0 : i32
      %dma_wait3A_234 = arith.constant 0 : i32
      %dma_wait3A_235 = tpu.memref_slice %arg7[%dma_wait3A_223, %dma_wait3A_233, %dma_wait3A_234] : memref<5x128x128xf32, #tpu.memory_space<vmem>> -> memref<1x128x128xf32, #tpu.memory_space<vmem>>
      %dma_wait3A_236 = tpu.memref_squeeze %dma_wait3A_235 : memref<1x128x128xf32, #tpu.memory_space<vmem>> -> memref<128x128xf32, #tpu.memory_space<vmem>>
      %dma_wait3A_237 = arith.constant 0 : i32
      %dma_wait3A_238 = tpu.memref_slice %arg3[%add3A_222, %dma_wait3A_237] : memref<819200x128xf32, #tpu.memory_space<hbm>> -> memref<128x128xf32, #tpu.memory_space<hbm>>
      tpu.wait_dma2 semaphore(%dma_wait3A_232 : memref<!tpu.dma_semaphore, #tpu.memory_space<semaphore_mem>>) src(%dma_wait3A_238 : memref<128x128xf32, #tpu.memory_space<hbm>>) dst(%dma_wait3A_236 : memref<128x128xf32, #tpu.memory_space<vmem>>)
      %mul3A_239 = arith.constant 128 : i32
      %mul3A_240 = arith.muli %add3A_212, %mul3A_239 : i32
      %dma_start3A_241 = arith.constant 1 : i32
      %dma_start3A_242 = arith.constant 1 : i32
      %dma_start3A_243 = arith.constant 0 : i32
      %dma_start3A_244 = arith.constant 0 : i32
      %dma_start3A_245 = tpu.memref_slice %arg7[%dma_start3A_241, %dma_start3A_243, %dma_start3A_244] : memref<5x128x128xf32, #tpu.memory_space<vmem>> -> memref<1x128x128xf32, #tpu.memory_space<vmem>>
      %dma_start3A_246 = tpu.memref_squeeze %dma_start3A_245 : memref<1x128x128xf32, #tpu.memory_space<vmem>> -> memref<128x128xf32, #tpu.memory_space<vmem>>
      %dma_start3A_247 = tpu.memref_slice %arg6[%mul3A_240] : memref<25600xi32, #tpu.memory_space<vmem>> -> memref<128xi32, #tpu.memory_space<vmem>>
      %dma_start3A_248 = arith.constant 0 : i32
      %dma_start3A_249 = arith.constant 0 : i32
      %dma_start3A_250 = tpu.memref_slice %arg8[%dma_start3A_248, %dma_start3A_249] : memref<1000x128xf32, #tpu.memory_space<vmem_shared>> -> memref<1000x128xf32, #tpu.memory_space<vmem_shared>>
      %dma_start3A_251 = tpu.memref_slice %arg10[%dma_start3A_242] : memref<5x!tpu.dma_semaphore, #tpu.memory_space<semaphore_mem>> -> memref<1x!tpu.dma_semaphore, #tpu.memory_space<semaphore_mem>>
      %dma_start3A_252 = tpu.memref_squeeze %dma_start3A_251 : memref<1x!tpu.dma_semaphore, #tpu.memory_space<semaphore_mem>> -> memref<!tpu.dma_semaphore, #tpu.memory_space<semaphore_mem>>
      tpu.enqueue_indirect_dma source(%dma_start3A_250 : memref<1000x128xf32, #tpu.memory_space<vmem_shared>>) target(%dma_start3A_246 : memref<128x128xf32, #tpu.memory_space<vmem>>) offsets(%dma_start3A_247 : memref<128xi32, #tpu.memory_space<vmem>>) semaphore(%dma_start3A_252 : memref<!tpu.dma_semaphore, #tpu.memory_space<semaphore_mem>>) {add = true}
      %dma_wait3A_253 = arith.constant 1 : i32
      %dma_wait3A_254 = arith.constant 1 : i32
      %dma_wait3A_255 = arith.constant 0 : i32
      %dma_wait3A_256 = arith.constant 0 : i32
      %dma_wait3A_257 = tpu.memref_slice %arg7[%dma_wait3A_253, %dma_wait3A_255, %dma_wait3A_256] : memref<5x128x128xf32, #tpu.memory_space<vmem>> -> memref<1x128x128xf32, #tpu.memory_space<vmem>>
      %dma_wait3A_258 = tpu.memref_squeeze %dma_wait3A_257 : memref<1x128x128xf32, #tpu.memory_space<vmem>> -> memref<128x128xf32, #tpu.memory_space<vmem>>
      %dma_wait3A_259 = tpu.memref_slice %arg6[%mul3A_240] : memref<25600xi32, #tpu.memory_space<vmem>> -> memref<128xi32, #tpu.memory_space<vmem>>
      %dma_wait3A_260 = arith.constant 0 : i32
      %dma_wait3A_261 = arith.constant 0 : i32
      %dma_wait3A_262 = tpu.memref_slice %arg8[%dma_wait3A_260, %dma_wait3A_261] : memref<1000x128xf32, #tpu.memory_space<vmem_shared>> -> memref<1000x128xf32, #tpu.memory_space<vmem_shared>>
      %dma_wait3A_263 = tpu.memref_slice %arg10[%dma_wait3A_254] : memref<5x!tpu.dma_semaphore, #tpu.memory_space<semaphore_mem>> -> memref<1x!tpu.dma_semaphore, #tpu.memory_space<semaphore_mem>>
      %dma_wait3A_264 = tpu.memref_squeeze %dma_wait3A_263 : memref<1x!tpu.dma_semaphore, #tpu.memory_space<semaphore_mem>> -> memref<!tpu.dma_semaphore, #tpu.memory_space<semaphore_mem>>
      tpu.wait_indirect_dma semaphore(%dma_wait3A_264 : memref<!tpu.dma_semaphore, #tpu.memory_space<semaphore_mem>>) src(%dma_wait3A_262 : memref<1000x128xf32, #tpu.memory_space<vmem_shared>>) dst(%dma_wait3A_258 : memref<128x128xf32, #tpu.memory_space<vmem>>)
      %mul3A_265 = arith.constant 128 : i32
      %mul3A_266 = arith.muli %add3A_212, %mul3A_265 : i32
      %add3A_267 = arith.addi %mul3A_2, %mul3A_266 : i32
      %dma_start3A_268 = arith.constant 1 : i32
      %dma_start3A_269 = arith.constant 1 : i32
      %dma_start3A_270 = arith.constant 0 : i32
      %dma_start3A_271 = arith.constant 0 : i32
      %dma_start3A_272 = tpu.memref_slice %arg7[%dma_start3A_268, %dma_start3A_270, %dma_start3A_271] : memref<5x128x128xf32, #tpu.memory_space<vmem>> -> memref<1x128x128xf32, #tpu.memory_space<vmem>>
      %dma_start3A_273 = tpu.memref_squeeze %dma_start3A_272 : memref<1x128x128xf32, #tpu.memory_space<vmem>> -> memref<128x128xf32, #tpu.memory_space<vmem>>
      %dma_start3A_274 = arith.constant 0 : i32
      %dma_start3A_275 = tpu.memref_slice %arg5[%add3A_267, %dma_start3A_274] : memref<819200x128xf32, #tpu.memory_space<hbm>> -> memref<128x128xf32, #tpu.memory_space<hbm>>
      %dma_start3A_276 = tpu.memref_slice %arg11[%dma_start3A_269] : memref<5x!tpu.dma_semaphore, #tpu.memory_space<semaphore_mem>> -> memref<1x!tpu.dma_semaphore, #tpu.memory_space<semaphore_mem>>
      %dma_start3A_277 = tpu.memref_squeeze %dma_start3A_276 : memref<1x!tpu.dma_semaphore, #tpu.memory_space<semaphore_mem>> -> memref<!tpu.dma_semaphore, #tpu.memory_space<semaphore_mem>>
      %dma_start3A_278 = arith.constant 0 : i32
      %dma_start3A_279 = tpu.memref_slice %arg5[%add3A_267, %dma_start3A_278] : memref<819200x128xf32, #tpu.memory_space<hbm>> -> memref<128x128xf32, #tpu.memory_space<hbm>>
      %dma_start3A_280 = arith.constant 0 : i32
      %dma_start3A_281 = arith.constant 0 : i32
      %dma_start3A_282 = tpu.memref_slice %arg7[%dma_start3A_268, %dma_start3A_280, %dma_start3A_281] : memref<5x128x128xf32, #tpu.memory_space<vmem>> -> memref<1x128x128xf32, #tpu.memory_space<vmem>>
      %dma_start3A_283 = tpu.memref_squeeze %dma_start3A_282 : memref<1x128x128xf32, #tpu.memory_space<vmem>> -> memref<128x128xf32, #tpu.memory_space<vmem>>
      tpu.enqueue_dma source(%dma_start3A_283 : memref<128x128xf32, #tpu.memory_space<vmem>>) target(%dma_start3A_279 : memref<128x128xf32, #tpu.memory_space<hbm>>) target_semaphore(%dma_start3A_277 : memref<!tpu.dma_semaphore, #tpu.memory_space<semaphore_mem>>)
      %mul3A_284 = arith.constant 5 : i32
      %mul3A_285 = arith.muli %scan3A_134, %mul3A_284 : i32
      %add3A_286 = arith.constant 2 : i32
      %add3A_287 = arith.addi %mul3A_285, %add3A_286 : i32
      %add3A_288 = arith.constant 2 : i32
      %add3A_289 = arith.addi %add3A_287, %add3A_288 : i32
      %lt3A_290 = arith.constant 200 : i32
      %lt3A_291 = arith.cmpi slt, %add3A_289, %lt3A_290 : i32
      %convert_element_type3A_292 = arith.extui %lt3A_291 : i1 to i32
      %cond3A_293 = arith.constant 0 : i32
      %cond3A_294 = arith.cmpi ne, %convert_element_type3A_292, %cond3A_293 : i32
      scf.if %cond3A_294 {
        %ge3A = arith.constant 3 : i32
        %ge3A_509 = arith.cmpi sge, %add3A_287, %ge3A : i32
        %convert_element_type3A_510 = arith.extui %ge3A_509 : i1 to i32
        %cond3A_511 = arith.constant 0 : i32
        %cond3A_512 = arith.cmpi ne, %convert_element_type3A_510, %cond3A_511 : i32
        scf.if %cond3A_512 {
          %sub3A = arith.constant 3 : i32
          %sub3A_534 = arith.subi %add3A_287, %sub3A : i32
          %mul3A_535 = arith.constant 128 : i32
          %mul3A_536 = arith.muli %sub3A_534, %mul3A_535 : i32
          %add3A_537 = arith.addi %mul3A_2, %mul3A_536 : i32
          %dma_wait3A_538 = arith.constant 4 : i32
          %dma_wait3A_539 = arith.constant 4 : i32
          %dma_wait3A_540 = arith.constant 0 : i32
          %dma_wait3A_541 = arith.constant 0 : i32
          %dma_wait3A_542 = tpu.memref_slice %arg7[%dma_wait3A_538, %dma_wait3A_540, %dma_wait3A_541] : memref<5x128x128xf32, #tpu.memory_space<vmem>> -> memref<1x128x128xf32, #tpu.memory_space<vmem>>
          %dma_wait3A_543 = tpu.memref_squeeze %dma_wait3A_542 : memref<1x128x128xf32, #tpu.memory_space<vmem>> -> memref<128x128xf32, #tpu.memory_space<vmem>>
          %dma_wait3A_544 = arith.constant 0 : i32
          %dma_wait3A_545 = tpu.memref_slice %arg5[%add3A_537, %dma_wait3A_544] : memref<819200x128xf32, #tpu.memory_space<hbm>> -> memref<128x128xf32, #tpu.memory_space<hbm>>
          %dma_wait3A_546 = tpu.memref_slice %arg11[%dma_wait3A_539] : memref<5x!tpu.dma_semaphore, #tpu.memory_space<semaphore_mem>> -> memref<1x!tpu.dma_semaphore, #tpu.memory_space<semaphore_mem>>
          %dma_wait3A_547 = tpu.memref_squeeze %dma_wait3A_546 : memref<1x!tpu.dma_semaphore, #tpu.memory_space<semaphore_mem>> -> memref<!tpu.dma_semaphore, #tpu.memory_space<semaphore_mem>>
          %dma_wait3A_548 = arith.constant 0 : i32
          %dma_wait3A_549 = tpu.memref_slice %arg5[%add3A_537, %dma_wait3A_548] : memref<819200x128xf32, #tpu.memory_space<hbm>> -> memref<128x128xf32, #tpu.memory_space<hbm>>
          %dma_wait3A_550 = arith.constant 0 : i32
          %dma_wait3A_551 = arith.constant 0 : i32
          %dma_wait3A_552 = tpu.memref_slice %arg7[%dma_wait3A_538, %dma_wait3A_550, %dma_wait3A_551] : memref<5x128x128xf32, #tpu.memory_space<vmem>> -> memref<1x128x128xf32, #tpu.memory_space<vmem>>
          %dma_wait3A_553 = tpu.memref_squeeze %dma_wait3A_552 : memref<1x128x128xf32, #tpu.memory_space<vmem>> -> memref<128x128xf32, #tpu.memory_space<vmem>>
          tpu.wait_dma2 semaphore(%dma_wait3A_547 : memref<!tpu.dma_semaphore, #tpu.memory_space<semaphore_mem>>) src(%dma_wait3A_553 : memref<128x128xf32, #tpu.memory_space<vmem>>) dst(%dma_wait3A_549 : memref<128x128xf32, #tpu.memory_space<hbm>>)
        } else {
        }
        %add3A_513 = arith.constant 2 : i32
        %add3A_514 = arith.addi %add3A_287, %add3A_513 : i32
        %mul3A_515 = arith.constant 128 : i32
        %mul3A_516 = arith.muli %add3A_514, %mul3A_515 : i32
        %add3A_517 = arith.addi %mul3A_2, %mul3A_516 : i32
        %dma_start3A_518 = arith.constant 4 : i32
        %dma_start3A_519 = arith.constant 4 : i32
        %dma_start3A_520 = arith.constant 0 : i32
        %dma_start3A_521 = arith.constant 0 : i32
        %dma_start3A_522 = tpu.memref_slice %arg7[%dma_start3A_518, %dma_start3A_520, %dma_start3A_521] : memref<5x128x128xf32, #tpu.memory_space<vmem>> -> memref<1x128x128xf32, #tpu.memory_space<vmem>>
        %dma_start3A_523 = tpu.memref_squeeze %dma_start3A_522 : memref<1x128x128xf32, #tpu.memory_space<vmem>> -> memref<128x128xf32, #tpu.memory_space<vmem>>
        %dma_start3A_524 = arith.constant 0 : i32
        %dma_start3A_525 = tpu.memref_slice %arg3[%add3A_517, %dma_start3A_524] : memref<819200x128xf32, #tpu.memory_space<hbm>> -> memref<128x128xf32, #tpu.memory_space<hbm>>
        %dma_start3A_526 = tpu.memref_slice %arg9[%dma_start3A_519] : memref<5x!tpu.dma_semaphore, #tpu.memory_space<semaphore_mem>> -> memref<1x!tpu.dma_semaphore, #tpu.memory_space<semaphore_mem>>
        %dma_start3A_527 = tpu.memref_squeeze %dma_start3A_526 : memref<1x!tpu.dma_semaphore, #tpu.memory_space<semaphore_mem>> -> memref<!tpu.dma_semaphore, #tpu.memory_space<semaphore_mem>>
        %dma_start3A_528 = arith.constant 0 : i32
        %dma_start3A_529 = arith.constant 0 : i32
        %dma_start3A_530 = tpu.memref_slice %arg7[%dma_start3A_518, %dma_start3A_528, %dma_start3A_529] : memref<5x128x128xf32, #tpu.memory_space<vmem>> -> memref<1x128x128xf32, #tpu.memory_space<vmem>>
        %dma_start3A_531 = tpu.memref_squeeze %dma_start3A_530 : memref<1x128x128xf32, #tpu.memory_space<vmem>> -> memref<128x128xf32, #tpu.memory_space<vmem>>
        %dma_start3A_532 = arith.constant 0 : i32
        %dma_start3A_533 = tpu.memref_slice %arg3[%add3A_517, %dma_start3A_532] : memref<819200x128xf32, #tpu.memory_space<hbm>> -> memref<128x128xf32, #tpu.memory_space<hbm>>
        tpu.enqueue_dma source(%dma_start3A_533 : memref<128x128xf32, #tpu.memory_space<hbm>>) target(%dma_start3A_531 : memref<128x128xf32, #tpu.memory_space<vmem>>) target_semaphore(%dma_start3A_527 : memref<!tpu.dma_semaphore, #tpu.memory_space<semaphore_mem>>)
      } else {
      }
      %mul3A_295 = arith.constant 128 : i32
      %mul3A_296 = arith.muli %add3A_287, %mul3A_295 : i32
      %add3A_297 = arith.addi %mul3A_2, %mul3A_296 : i32
      %dma_wait3A_298 = arith.constant 2 : i32
      %dma_wait3A_299 = arith.constant 2 : i32
      %dma_wait3A_300 = arith.constant 0 : i32
      %dma_wait3A_301 = arith.constant 0 : i32
      %dma_wait3A_302 = tpu.memref_slice %arg7[%dma_wait3A_298, %dma_wait3A_300, %dma_wait3A_301] : memref<5x128x128xf32, #tpu.memory_space<vmem>> -> memref<1x128x128xf32, #tpu.memory_space<vmem>>
      %dma_wait3A_303 = tpu.memref_squeeze %dma_wait3A_302 : memref<1x128x128xf32, #tpu.memory_space<vmem>> -> memref<128x128xf32, #tpu.memory_space<vmem>>
      %dma_wait3A_304 = arith.constant 0 : i32
      %dma_wait3A_305 = tpu.memref_slice %arg3[%add3A_297, %dma_wait3A_304] : memref<819200x128xf32, #tpu.memory_space<hbm>> -> memref<128x128xf32, #tpu.memory_space<hbm>>
      %dma_wait3A_306 = tpu.memref_slice %arg9[%dma_wait3A_299] : memref<5x!tpu.dma_semaphore, #tpu.memory_space<semaphore_mem>> -> memref<1x!tpu.dma_semaphore, #tpu.memory_space<semaphore_mem>>
      %dma_wait3A_307 = tpu.memref_squeeze %dma_wait3A_306 : memref<1x!tpu.dma_semaphore, #tpu.memory_space<semaphore_mem>> -> memref<!tpu.dma_semaphore, #tpu.memory_space<semaphore_mem>>
      %dma_wait3A_308 = arith.constant 0 : i32
      %dma_wait3A_309 = arith.constant 0 : i32
      %dma_wait3A_310 = tpu.memref_slice %arg7[%dma_wait3A_298, %dma_wait3A_308, %dma_wait3A_309] : memref<5x128x128xf32, #tpu.memory_space<vmem>> -> memref<1x128x128xf32, #tpu.memory_space<vmem>>
      %dma_wait3A_311 = tpu.memref_squeeze %dma_wait3A_310 : memref<1x128x128xf32, #tpu.memory_space<vmem>> -> memref<128x128xf32, #tpu.memory_space<vmem>>
      %dma_wait3A_312 = arith.constant 0 : i32
      %dma_wait3A_313 = tpu.memref_slice %arg3[%add3A_297, %dma_wait3A_312] : memref<819200x128xf32, #tpu.memory_space<hbm>> -> memref<128x128xf32, #tpu.memory_space<hbm>>
      tpu.wait_dma2 semaphore(%dma_wait3A_307 : memref<!tpu.dma_semaphore, #tpu.memory_space<semaphore_mem>>) src(%dma_wait3A_313 : memref<128x128xf32, #tpu.memory_space<hbm>>) dst(%dma_wait3A_311 : memref<128x128xf32, #tpu.memory_space<vmem>>)
      %mul3A_314 = arith.constant 128 : i32
      %mul3A_315 = arith.muli %add3A_287, %mul3A_314 : i32
      %dma_start3A_316 = arith.constant 2 : i32
      %dma_start3A_317 = arith.constant 2 : i32
      %dma_start3A_318 = arith.constant 0 : i32
      %dma_start3A_319 = arith.constant 0 : i32
      %dma_start3A_320 = tpu.memref_slice %arg7[%dma_start3A_316, %dma_start3A_318, %dma_start3A_319] : memref<5x128x128xf32, #tpu.memory_space<vmem>> -> memref<1x128x128xf32, #tpu.memory_space<vmem>>
      %dma_start3A_321 = tpu.memref_squeeze %dma_start3A_320 : memref<1x128x128xf32, #tpu.memory_space<vmem>> -> memref<128x128xf32, #tpu.memory_space<vmem>>
      %dma_start3A_322 = tpu.memref_slice %arg6[%mul3A_315] : memref<25600xi32, #tpu.memory_space<vmem>> -> memref<128xi32, #tpu.memory_space<vmem>>
      %dma_start3A_323 = arith.constant 0 : i32
      %dma_start3A_324 = arith.constant 0 : i32
      %dma_start3A_325 = tpu.memref_slice %arg8[%dma_start3A_323, %dma_start3A_324] : memref<1000x128xf32, #tpu.memory_space<vmem_shared>> -> memref<1000x128xf32, #tpu.memory_space<vmem_shared>>
      %dma_start3A_326 = tpu.memref_slice %arg10[%dma_start3A_317] : memref<5x!tpu.dma_semaphore, #tpu.memory_space<semaphore_mem>> -> memref<1x!tpu.dma_semaphore, #tpu.memory_space<semaphore_mem>>
      %dma_start3A_327 = tpu.memref_squeeze %dma_start3A_326 : memref<1x!tpu.dma_semaphore, #tpu.memory_space<semaphore_mem>> -> memref<!tpu.dma_semaphore, #tpu.memory_space<semaphore_mem>>
      tpu.enqueue_indirect_dma source(%dma_start3A_325 : memref<1000x128xf32, #tpu.memory_space<vmem_shared>>) target(%dma_start3A_321 : memref<128x128xf32, #tpu.memory_space<vmem>>) offsets(%dma_start3A_322 : memref<128xi32, #tpu.memory_space<vmem>>) semaphore(%dma_start3A_327 : memref<!tpu.dma_semaphore, #tpu.memory_space<semaphore_mem>>) {add = true}
      %dma_wait3A_328 = arith.constant 2 : i32
      %dma_wait3A_329 = arith.constant 2 : i32
      %dma_wait3A_330 = arith.constant 0 : i32
      %dma_wait3A_331 = arith.constant 0 : i32
      %dma_wait3A_332 = tpu.memref_slice %arg7[%dma_wait3A_328, %dma_wait3A_330, %dma_wait3A_331] : memref<5x128x128xf32, #tpu.memory_space<vmem>> -> memref<1x128x128xf32, #tpu.memory_space<vmem>>
      %dma_wait3A_333 = tpu.memref_squeeze %dma_wait3A_332 : memref<1x128x128xf32, #tpu.memory_space<vmem>> -> memref<128x128xf32, #tpu.memory_space<vmem>>
      %dma_wait3A_334 = tpu.memref_slice %arg6[%mul3A_315] : memref<25600xi32, #tpu.memory_space<vmem>> -> memref<128xi32, #tpu.memory_space<vmem>>
      %dma_wait3A_335 = arith.constant 0 : i32
      %dma_wait3A_336 = arith.constant 0 : i32
      %dma_wait3A_337 = tpu.memref_slice %arg8[%dma_wait3A_335, %dma_wait3A_336] : memref<1000x128xf32, #tpu.memory_space<vmem_shared>> -> memref<1000x128xf32, #tpu.memory_space<vmem_shared>>
      %dma_wait3A_338 = tpu.memref_slice %arg10[%dma_wait3A_329] : memref<5x!tpu.dma_semaphore, #tpu.memory_space<semaphore_mem>> -> memref<1x!tpu.dma_semaphore, #tpu.memory_space<semaphore_mem>>
      %dma_wait3A_339 = tpu.memref_squeeze %dma_wait3A_338 : memref<1x!tpu.dma_semaphore, #tpu.memory_space<semaphore_mem>> -> memref<!tpu.dma_semaphore, #tpu.memory_space<semaphore_mem>>
      tpu.wait_indirect_dma semaphore(%dma_wait3A_339 : memref<!tpu.dma_semaphore, #tpu.memory_space<semaphore_mem>>) src(%dma_wait3A_337 : memref<1000x128xf32, #tpu.memory_space<vmem_shared>>) dst(%dma_wait3A_333 : memref<128x128xf32, #tpu.memory_space<vmem>>)
      %mul3A_340 = arith.constant 128 : i32
      %mul3A_341 = arith.muli %add3A_287, %mul3A_340 : i32
      %add3A_342 = arith.addi %mul3A_2, %mul3A_341 : i32
      %dma_start3A_343 = arith.constant 2 : i32
      %dma_start3A_344 = arith.constant 2 : i32
      %dma_start3A_345 = arith.constant 0 : i32
      %dma_start3A_346 = arith.constant 0 : i32
      %dma_start3A_347 = tpu.memref_slice %arg7[%dma_start3A_343, %dma_start3A_345, %dma_start3A_346] : memref<5x128x128xf32, #tpu.memory_space<vmem>> -> memref<1x128x128xf32, #tpu.memory_space<vmem>>
      %dma_start3A_348 = tpu.memref_squeeze %dma_start3A_347 : memref<1x128x128xf32, #tpu.memory_space<vmem>> -> memref<128x128xf32, #tpu.memory_space<vmem>>
      %dma_start3A_349 = arith.constant 0 : i32
      %dma_start3A_350 = tpu.memref_slice %arg5[%add3A_342, %dma_start3A_349] : memref<819200x128xf32, #tpu.memory_space<hbm>> -> memref<128x128xf32, #tpu.memory_space<hbm>>
      %dma_start3A_351 = tpu.memref_slice %arg11[%dma_start3A_344] : memref<5x!tpu.dma_semaphore, #tpu.memory_space<semaphore_mem>> -> memref<1x!tpu.dma_semaphore, #tpu.memory_space<semaphore_mem>>
      %dma_start3A_352 = tpu.memref_squeeze %dma_start3A_351 : memref<1x!tpu.dma_semaphore, #tpu.memory_space<semaphore_mem>> -> memref<!tpu.dma_semaphore, #tpu.memory_space<semaphore_mem>>
      %dma_start3A_353 = arith.constant 0 : i32
      %dma_start3A_354 = tpu.memref_slice %arg5[%add3A_342, %dma_start3A_353] : memref<819200x128xf32, #tpu.memory_space<hbm>> -> memref<128x128xf32, #tpu.memory_space<hbm>>
      %dma_start3A_355 = arith.constant 0 : i32
      %dma_start3A_356 = arith.constant 0 : i32
      %dma_start3A_357 = tpu.memref_slice %arg7[%dma_start3A_343, %dma_start3A_355, %dma_start3A_356] : memref<5x128x128xf32, #tpu.memory_space<vmem>> -> memref<1x128x128xf32, #tpu.memory_space<vmem>>
      %dma_start3A_358 = tpu.memref_squeeze %dma_start3A_357 : memref<1x128x128xf32, #tpu.memory_space<vmem>> -> memref<128x128xf32, #tpu.memory_space<vmem>>
      tpu.enqueue_dma source(%dma_start3A_358 : memref<128x128xf32, #tpu.memory_space<vmem>>) target(%dma_start3A_354 : memref<128x128xf32, #tpu.memory_space<hbm>>) target_semaphore(%dma_start3A_352 : memref<!tpu.dma_semaphore, #tpu.memory_space<semaphore_mem>>)
      %mul3A_359 = arith.constant 5 : i32
      %mul3A_360 = arith.muli %scan3A_134, %mul3A_359 : i32
      %add3A_361 = arith.constant 3 : i32
      %add3A_362 = arith.addi %mul3A_360, %add3A_361 : i32
      %add3A_363 = arith.constant 2 : i32
      %add3A_364 = arith.addi %add3A_362, %add3A_363 : i32
      %lt3A_365 = arith.constant 200 : i32
      %lt3A_366 = arith.cmpi slt, %add3A_364, %lt3A_365 : i32
      %convert_element_type3A_367 = arith.extui %lt3A_366 : i1 to i32
      %cond3A_368 = arith.constant 0 : i32
      %cond3A_369 = arith.cmpi ne, %convert_element_type3A_367, %cond3A_368 : i32
      scf.if %cond3A_369 {
        %ge3A = arith.constant 3 : i32
        %ge3A_509 = arith.cmpi sge, %add3A_362, %ge3A : i32
        %convert_element_type3A_510 = arith.extui %ge3A_509 : i1 to i32
        %cond3A_511 = arith.constant 0 : i32
        %cond3A_512 = arith.cmpi ne, %convert_element_type3A_510, %cond3A_511 : i32
        scf.if %cond3A_512 {
          %sub3A = arith.constant 3 : i32
          %sub3A_534 = arith.subi %add3A_362, %sub3A : i32
          %mul3A_535 = arith.constant 128 : i32
          %mul3A_536 = arith.muli %sub3A_534, %mul3A_535 : i32
          %add3A_537 = arith.addi %mul3A_2, %mul3A_536 : i32
          %dma_wait3A_538 = arith.constant 0 : i32
          %dma_wait3A_539 = arith.constant 0 : i32
          %dma_wait3A_540 = arith.constant 0 : i32
          %dma_wait3A_541 = arith.constant 0 : i32
          %dma_wait3A_542 = tpu.memref_slice %arg7[%dma_wait3A_538, %dma_wait3A_540, %dma_wait3A_541] : memref<5x128x128xf32, #tpu.memory_space<vmem>> -> memref<1x128x128xf32, #tpu.memory_space<vmem>>
          %dma_wait3A_543 = tpu.memref_squeeze %dma_wait3A_542 : memref<1x128x128xf32, #tpu.memory_space<vmem>> -> memref<128x128xf32, #tpu.memory_space<vmem>>
          %dma_wait3A_544 = arith.constant 0 : i32
          %dma_wait3A_545 = tpu.memref_slice %arg5[%add3A_537, %dma_wait3A_544] : memref<819200x128xf32, #tpu.memory_space<hbm>> -> memref<128x128xf32, #tpu.memory_space<hbm>>
          %dma_wait3A_546 = tpu.memref_slice %arg11[%dma_wait3A_539] : memref<5x!tpu.dma_semaphore, #tpu.memory_space<semaphore_mem>> -> memref<1x!tpu.dma_semaphore, #tpu.memory_space<semaphore_mem>>
          %dma_wait3A_547 = tpu.memref_squeeze %dma_wait3A_546 : memref<1x!tpu.dma_semaphore, #tpu.memory_space<semaphore_mem>> -> memref<!tpu.dma_semaphore, #tpu.memory_space<semaphore_mem>>
          %dma_wait3A_548 = arith.constant 0 : i32
          %dma_wait3A_549 = tpu.memref_slice %arg5[%add3A_537, %dma_wait3A_548] : memref<819200x128xf32, #tpu.memory_space<hbm>> -> memref<128x128xf32, #tpu.memory_space<hbm>>
          %dma_wait3A_550 = arith.constant 0 : i32
          %dma_wait3A_551 = arith.constant 0 : i32
          %dma_wait3A_552 = tpu.memref_slice %arg7[%dma_wait3A_538, %dma_wait3A_550, %dma_wait3A_551] : memref<5x128x128xf32, #tpu.memory_space<vmem>> -> memref<1x128x128xf32, #tpu.memory_space<vmem>>
          %dma_wait3A_553 = tpu.memref_squeeze %dma_wait3A_552 : memref<1x128x128xf32, #tpu.memory_space<vmem>> -> memref<128x128xf32, #tpu.memory_space<vmem>>
          tpu.wait_dma2 semaphore(%dma_wait3A_547 : memref<!tpu.dma_semaphore, #tpu.memory_space<semaphore_mem>>) src(%dma_wait3A_553 : memref<128x128xf32, #tpu.memory_space<vmem>>) dst(%dma_wait3A_549 : memref<128x128xf32, #tpu.memory_space<hbm>>)
        } else {
        }
        %add3A_513 = arith.constant 2 : i32
        %add3A_514 = arith.addi %add3A_362, %add3A_513 : i32
        %mul3A_515 = arith.constant 128 : i32
        %mul3A_516 = arith.muli %add3A_514, %mul3A_515 : i32
        %add3A_517 = arith.addi %mul3A_2, %mul3A_516 : i32
        %dma_start3A_518 = arith.constant 0 : i32
        %dma_start3A_519 = arith.constant 0 : i32
        %dma_start3A_520 = arith.constant 0 : i32
        %dma_start3A_521 = arith.constant 0 : i32
        %dma_start3A_522 = tpu.memref_slice %arg7[%dma_start3A_518, %dma_start3A_520, %dma_start3A_521] : memref<5x128x128xf32, #tpu.memory_space<vmem>> -> memref<1x128x128xf32, #tpu.memory_space<vmem>>
        %dma_start3A_523 = tpu.memref_squeeze %dma_start3A_522 : memref<1x128x128xf32, #tpu.memory_space<vmem>> -> memref<128x128xf32, #tpu.memory_space<vmem>>
        %dma_start3A_524 = arith.constant 0 : i32
        %dma_start3A_525 = tpu.memref_slice %arg3[%add3A_517, %dma_start3A_524] : memref<819200x128xf32, #tpu.memory_space<hbm>> -> memref<128x128xf32, #tpu.memory_space<hbm>>
        %dma_start3A_526 = tpu.memref_slice %arg9[%dma_start3A_519] : memref<5x!tpu.dma_semaphore, #tpu.memory_space<semaphore_mem>> -> memref<1x!tpu.dma_semaphore, #tpu.memory_space<semaphore_mem>>
        %dma_start3A_527 = tpu.memref_squeeze %dma_start3A_526 : memref<1x!tpu.dma_semaphore, #tpu.memory_space<semaphore_mem>> -> memref<!tpu.dma_semaphore, #tpu.memory_space<semaphore_mem>>
        %dma_start3A_528 = arith.constant 0 : i32
        %dma_start3A_529 = arith.constant 0 : i32
        %dma_start3A_530 = tpu.memref_slice %arg7[%dma_start3A_518, %dma_start3A_528, %dma_start3A_529] : memref<5x128x128xf32, #tpu.memory_space<vmem>> -> memref<1x128x128xf32, #tpu.memory_space<vmem>>
        %dma_start3A_531 = tpu.memref_squeeze %dma_start3A_530 : memref<1x128x128xf32, #tpu.memory_space<vmem>> -> memref<128x128xf32, #tpu.memory_space<vmem>>
        %dma_start3A_532 = arith.constant 0 : i32
        %dma_start3A_533 = tpu.memref_slice %arg3[%add3A_517, %dma_start3A_532] : memref<819200x128xf32, #tpu.memory_space<hbm>> -> memref<128x128xf32, #tpu.memory_space<hbm>>
        tpu.enqueue_dma source(%dma_start3A_533 : memref<128x128xf32, #tpu.memory_space<hbm>>) target(%dma_start3A_531 : memref<128x128xf32, #tpu.memory_space<vmem>>) target_semaphore(%dma_start3A_527 : memref<!tpu.dma_semaphore, #tpu.memory_space<semaphore_mem>>)
      } else {
      }
      %mul3A_370 = arith.constant 128 : i32
      %mul3A_371 = arith.muli %add3A_362, %mul3A_370 : i32
      %add3A_372 = arith.addi %mul3A_2, %mul3A_371 : i32
      %dma_wait3A_373 = arith.constant 3 : i32
      %dma_wait3A_374 = arith.constant 3 : i32
      %dma_wait3A_375 = arith.constant 0 : i32
      %dma_wait3A_376 = arith.constant 0 : i32
      %dma_wait3A_377 = tpu.memref_slice %arg7[%dma_wait3A_373, %dma_wait3A_375, %dma_wait3A_376] : memref<5x128x128xf32, #tpu.memory_space<vmem>> -> memref<1x128x128xf32, #tpu.memory_space<vmem>>
      %dma_wait3A_378 = tpu.memref_squeeze %dma_wait3A_377 : memref<1x128x128xf32, #tpu.memory_space<vmem>> -> memref<128x128xf32, #tpu.memory_space<vmem>>
      %dma_wait3A_379 = arith.constant 0 : i32
      %dma_wait3A_380 = tpu.memref_slice %arg3[%add3A_372, %dma_wait3A_379] : memref<819200x128xf32, #tpu.memory_space<hbm>> -> memref<128x128xf32, #tpu.memory_space<hbm>>
      %dma_wait3A_381 = tpu.memref_slice %arg9[%dma_wait3A_374] : memref<5x!tpu.dma_semaphore, #tpu.memory_space<semaphore_mem>> -> memref<1x!tpu.dma_semaphore, #tpu.memory_space<semaphore_mem>>
      %dma_wait3A_382 = tpu.memref_squeeze %dma_wait3A_381 : memref<1x!tpu.dma_semaphore, #tpu.memory_space<semaphore_mem>> -> memref<!tpu.dma_semaphore, #tpu.memory_space<semaphore_mem>>
      %dma_wait3A_383 = arith.constant 0 : i32
      %dma_wait3A_384 = arith.constant 0 : i32
      %dma_wait3A_385 = tpu.memref_slice %arg7[%dma_wait3A_373, %dma_wait3A_383, %dma_wait3A_384] : memref<5x128x128xf32, #tpu.memory_space<vmem>> -> memref<1x128x128xf32, #tpu.memory_space<vmem>>
      %dma_wait3A_386 = tpu.memref_squeeze %dma_wait3A_385 : memref<1x128x128xf32, #tpu.memory_space<vmem>> -> memref<128x128xf32, #tpu.memory_space<vmem>>
      %dma_wait3A_387 = arith.constant 0 : i32
      %dma_wait3A_388 = tpu.memref_slice %arg3[%add3A_372, %dma_wait3A_387] : memref<819200x128xf32, #tpu.memory_space<hbm>> -> memref<128x128xf32, #tpu.memory_space<hbm>>
      tpu.wait_dma2 semaphore(%dma_wait3A_382 : memref<!tpu.dma_semaphore, #tpu.memory_space<semaphore_mem>>) src(%dma_wait3A_388 : memref<128x128xf32, #tpu.memory_space<hbm>>) dst(%dma_wait3A_386 : memref<128x128xf32, #tpu.memory_space<vmem>>)
      %mul3A_389 = arith.constant 128 : i32
      %mul3A_390 = arith.muli %add3A_362, %mul3A_389 : i32
      %dma_start3A_391 = arith.constant 3 : i32
      %dma_start3A_392 = arith.constant 3 : i32
      %dma_start3A_393 = arith.constant 0 : i32
      %dma_start3A_394 = arith.constant 0 : i32
      %dma_start3A_395 = tpu.memref_slice %arg7[%dma_start3A_391, %dma_start3A_393, %dma_start3A_394] : memref<5x128x128xf32, #tpu.memory_space<vmem>> -> memref<1x128x128xf32, #tpu.memory_space<vmem>>
      %dma_start3A_396 = tpu.memref_squeeze %dma_start3A_395 : memref<1x128x128xf32, #tpu.memory_space<vmem>> -> memref<128x128xf32, #tpu.memory_space<vmem>>
      %dma_start3A_397 = tpu.memref_slice %arg6[%mul3A_390] : memref<25600xi32, #tpu.memory_space<vmem>> -> memref<128xi32, #tpu.memory_space<vmem>>
      %dma_start3A_398 = arith.constant 0 : i32
      %dma_start3A_399 = arith.constant 0 : i32
      %dma_start3A_400 = tpu.memref_slice %arg8[%dma_start3A_398, %dma_start3A_399] : memref<1000x128xf32, #tpu.memory_space<vmem_shared>> -> memref<1000x128xf32, #tpu.memory_space<vmem_shared>>
      %dma_start3A_401 = tpu.memref_slice %arg10[%dma_start3A_392] : memref<5x!tpu.dma_semaphore, #tpu.memory_space<semaphore_mem>> -> memref<1x!tpu.dma_semaphore, #tpu.memory_space<semaphore_mem>>
      %dma_start3A_402 = tpu.memref_squeeze %dma_start3A_401 : memref<1x!tpu.dma_semaphore, #tpu.memory_space<semaphore_mem>> -> memref<!tpu.dma_semaphore, #tpu.memory_space<semaphore_mem>>
      tpu.enqueue_indirect_dma source(%dma_start3A_400 : memref<1000x128xf32, #tpu.memory_space<vmem_shared>>) target(%dma_start3A_396 : memref<128x128xf32, #tpu.memory_space<vmem>>) offsets(%dma_start3A_397 : memref<128xi32, #tpu.memory_space<vmem>>) semaphore(%dma_start3A_402 : memref<!tpu.dma_semaphore, #tpu.memory_space<semaphore_mem>>) {add = true}
      %dma_wait3A_403 = arith.constant 3 : i32
      %dma_wait3A_404 = arith.constant 3 : i32
      %dma_wait3A_405 = arith.constant 0 : i32
      %dma_wait3A_406 = arith.constant 0 : i32
      %dma_wait3A_407 = tpu.memref_slice %arg7[%dma_wait3A_403, %dma_wait3A_405, %dma_wait3A_406] : memref<5x128x128xf32, #tpu.memory_space<vmem>> -> memref<1x128x128xf32, #tpu.memory_space<vmem>>
      %dma_wait3A_408 = tpu.memref_squeeze %dma_wait3A_407 : memref<1x128x128xf32, #tpu.memory_space<vmem>> -> memref<128x128xf32, #tpu.memory_space<vmem>>
      %dma_wait3A_409 = tpu.memref_slice %arg6[%mul3A_390] : memref<25600xi32, #tpu.memory_space<vmem>> -> memref<128xi32, #tpu.memory_space<vmem>>
      %dma_wait3A_410 = arith.constant 0 : i32
      %dma_wait3A_411 = arith.constant 0 : i32
      %dma_wait3A_412 = tpu.memref_slice %arg8[%dma_wait3A_410, %dma_wait3A_411] : memref<1000x128xf32, #tpu.memory_space<vmem_shared>> -> memref<1000x128xf32, #tpu.memory_space<vmem_shared>>
      %dma_wait3A_413 = tpu.memref_slice %arg10[%dma_wait3A_404] : memref<5x!tpu.dma_semaphore, #tpu.memory_space<semaphore_mem>> -> memref<1x!tpu.dma_semaphore, #tpu.memory_space<semaphore_mem>>
      %dma_wait3A_414 = tpu.memref_squeeze %dma_wait3A_413 : memref<1x!tpu.dma_semaphore, #tpu.memory_space<semaphore_mem>> -> memref<!tpu.dma_semaphore, #tpu.memory_space<semaphore_mem>>
      tpu.wait_indirect_dma semaphore(%dma_wait3A_414 : memref<!tpu.dma_semaphore, #tpu.memory_space<semaphore_mem>>) src(%dma_wait3A_412 : memref<1000x128xf32, #tpu.memory_space<vmem_shared>>) dst(%dma_wait3A_408 : memref<128x128xf32, #tpu.memory_space<vmem>>)
      %mul3A_415 = arith.constant 128 : i32
      %mul3A_416 = arith.muli %add3A_362, %mul3A_415 : i32
      %add3A_417 = arith.addi %mul3A_2, %mul3A_416 : i32
      %dma_start3A_418 = arith.constant 3 : i32
      %dma_start3A_419 = arith.constant 3 : i32
      %dma_start3A_420 = arith.constant 0 : i32
      %dma_start3A_421 = arith.constant 0 : i32
      %dma_start3A_422 = tpu.memref_slice %arg7[%dma_start3A_418, %dma_start3A_420, %dma_start3A_421] : memref<5x128x128xf32, #tpu.memory_space<vmem>> -> memref<1x128x128xf32, #tpu.memory_space<vmem>>
      %dma_start3A_423 = tpu.memref_squeeze %dma_start3A_422 : memref<1x128x128xf32, #tpu.memory_space<vmem>> -> memref<128x128xf32, #tpu.memory_space<vmem>>
      %dma_start3A_424 = arith.constant 0 : i32
      %dma_start3A_425 = tpu.memref_slice %arg5[%add3A_417, %dma_start3A_424] : memref<819200x128xf32, #tpu.memory_space<hbm>> -> memref<128x128xf32, #tpu.memory_space<hbm>>
      %dma_start3A_426 = tpu.memref_slice %arg11[%dma_start3A_419] : memref<5x!tpu.dma_semaphore, #tpu.memory_space<semaphore_mem>> -> memref<1x!tpu.dma_semaphore, #tpu.memory_space<semaphore_mem>>
      %dma_start3A_427 = tpu.memref_squeeze %dma_start3A_426 : memref<1x!tpu.dma_semaphore, #tpu.memory_space<semaphore_mem>> -> memref<!tpu.dma_semaphore, #tpu.memory_space<semaphore_mem>>
      %dma_start3A_428 = arith.constant 0 : i32
      %dma_start3A_429 = tpu.memref_slice %arg5[%add3A_417, %dma_start3A_428] : memref<819200x128xf32, #tpu.memory_space<hbm>> -> memref<128x128xf32, #tpu.memory_space<hbm>>
      %dma_start3A_430 = arith.constant 0 : i32
      %dma_start3A_431 = arith.constant 0 : i32
      %dma_start3A_432 = tpu.memref_slice %arg7[%dma_start3A_418, %dma_start3A_430, %dma_start3A_431] : memref<5x128x128xf32, #tpu.memory_space<vmem>> -> memref<1x128x128xf32, #tpu.memory_space<vmem>>
      %dma_start3A_433 = tpu.memref_squeeze %dma_start3A_432 : memref<1x128x128xf32, #tpu.memory_space<vmem>> -> memref<128x128xf32, #tpu.memory_space<vmem>>
      tpu.enqueue_dma source(%dma_start3A_433 : memref<128x128xf32, #tpu.memory_space<vmem>>) target(%dma_start3A_429 : memref<128x128xf32, #tpu.memory_space<hbm>>) target_semaphore(%dma_start3A_427 : memref<!tpu.dma_semaphore, #tpu.memory_space<semaphore_mem>>)
      %mul3A_434 = arith.constant 5 : i32
      %mul3A_435 = arith.muli %scan3A_134, %mul3A_434 : i32
      %add3A_436 = arith.constant 4 : i32
      %add3A_437 = arith.addi %mul3A_435, %add3A_436 : i32
      %add3A_438 = arith.constant 2 : i32
      %add3A_439 = arith.addi %add3A_437, %add3A_438 : i32
      %lt3A_440 = arith.constant 200 : i32
      %lt3A_441 = arith.cmpi slt, %add3A_439, %lt3A_440 : i32
      %convert_element_type3A_442 = arith.extui %lt3A_441 : i1 to i32
      %cond3A_443 = arith.constant 0 : i32
      %cond3A_444 = arith.cmpi ne, %convert_element_type3A_442, %cond3A_443 : i32
      scf.if %cond3A_444 {
        %ge3A = arith.constant 3 : i32
        %ge3A_509 = arith.cmpi sge, %add3A_437, %ge3A : i32
        %convert_element_type3A_510 = arith.extui %ge3A_509 : i1 to i32
        %cond3A_511 = arith.constant 0 : i32
        %cond3A_512 = arith.cmpi ne, %convert_element_type3A_510, %cond3A_511 : i32
        scf.if %cond3A_512 {
          %sub3A = arith.constant 3 : i32
          %sub3A_534 = arith.subi %add3A_437, %sub3A : i32
          %mul3A_535 = arith.constant 128 : i32
          %mul3A_536 = arith.muli %sub3A_534, %mul3A_535 : i32
          %add3A_537 = arith.addi %mul3A_2, %mul3A_536 : i32
          %dma_wait3A_538 = arith.constant 1 : i32
          %dma_wait3A_539 = arith.constant 1 : i32
          %dma_wait3A_540 = arith.constant 0 : i32
          %dma_wait3A_541 = arith.constant 0 : i32
          %dma_wait3A_542 = tpu.memref_slice %arg7[%dma_wait3A_538, %dma_wait3A_540, %dma_wait3A_541] : memref<5x128x128xf32, #tpu.memory_space<vmem>> -> memref<1x128x128xf32, #tpu.memory_space<vmem>>
          %dma_wait3A_543 = tpu.memref_squeeze %dma_wait3A_542 : memref<1x128x128xf32, #tpu.memory_space<vmem>> -> memref<128x128xf32, #tpu.memory_space<vmem>>
          %dma_wait3A_544 = arith.constant 0 : i32
          %dma_wait3A_545 = tpu.memref_slice %arg5[%add3A_537, %dma_wait3A_544] : memref<819200x128xf32, #tpu.memory_space<hbm>> -> memref<128x128xf32, #tpu.memory_space<hbm>>
          %dma_wait3A_546 = tpu.memref_slice %arg11[%dma_wait3A_539] : memref<5x!tpu.dma_semaphore, #tpu.memory_space<semaphore_mem>> -> memref<1x!tpu.dma_semaphore, #tpu.memory_space<semaphore_mem>>
          %dma_wait3A_547 = tpu.memref_squeeze %dma_wait3A_546 : memref<1x!tpu.dma_semaphore, #tpu.memory_space<semaphore_mem>> -> memref<!tpu.dma_semaphore, #tpu.memory_space<semaphore_mem>>
          %dma_wait3A_548 = arith.constant 0 : i32
          %dma_wait3A_549 = tpu.memref_slice %arg5[%add3A_537, %dma_wait3A_548] : memref<819200x128xf32, #tpu.memory_space<hbm>> -> memref<128x128xf32, #tpu.memory_space<hbm>>
          %dma_wait3A_550 = arith.constant 0 : i32
          %dma_wait3A_551 = arith.constant 0 : i32
          %dma_wait3A_552 = tpu.memref_slice %arg7[%dma_wait3A_538, %dma_wait3A_550, %dma_wait3A_551] : memref<5x128x128xf32, #tpu.memory_space<vmem>> -> memref<1x128x128xf32, #tpu.memory_space<vmem>>
          %dma_wait3A_553 = tpu.memref_squeeze %dma_wait3A_552 : memref<1x128x128xf32, #tpu.memory_space<vmem>> -> memref<128x128xf32, #tpu.memory_space<vmem>>
          tpu.wait_dma2 semaphore(%dma_wait3A_547 : memref<!tpu.dma_semaphore, #tpu.memory_space<semaphore_mem>>) src(%dma_wait3A_553 : memref<128x128xf32, #tpu.memory_space<vmem>>) dst(%dma_wait3A_549 : memref<128x128xf32, #tpu.memory_space<hbm>>)
        } else {
        }
        %add3A_513 = arith.constant 2 : i32
        %add3A_514 = arith.addi %add3A_437, %add3A_513 : i32
        %mul3A_515 = arith.constant 128 : i32
        %mul3A_516 = arith.muli %add3A_514, %mul3A_515 : i32
        %add3A_517 = arith.addi %mul3A_2, %mul3A_516 : i32
        %dma_start3A_518 = arith.constant 1 : i32
        %dma_start3A_519 = arith.constant 1 : i32
        %dma_start3A_520 = arith.constant 0 : i32
        %dma_start3A_521 = arith.constant 0 : i32
        %dma_start3A_522 = tpu.memref_slice %arg7[%dma_start3A_518, %dma_start3A_520, %dma_start3A_521] : memref<5x128x128xf32, #tpu.memory_space<vmem>> -> memref<1x128x128xf32, #tpu.memory_space<vmem>>
        %dma_start3A_523 = tpu.memref_squeeze %dma_start3A_522 : memref<1x128x128xf32, #tpu.memory_space<vmem>> -> memref<128x128xf32, #tpu.memory_space<vmem>>
        %dma_start3A_524 = arith.constant 0 : i32
        %dma_start3A_525 = tpu.memref_slice %arg3[%add3A_517, %dma_start3A_524] : memref<819200x128xf32, #tpu.memory_space<hbm>> -> memref<128x128xf32, #tpu.memory_space<hbm>>
        %dma_start3A_526 = tpu.memref_slice %arg9[%dma_start3A_519] : memref<5x!tpu.dma_semaphore, #tpu.memory_space<semaphore_mem>> -> memref<1x!tpu.dma_semaphore, #tpu.memory_space<semaphore_mem>>
        %dma_start3A_527 = tpu.memref_squeeze %dma_start3A_526 : memref<1x!tpu.dma_semaphore, #tpu.memory_space<semaphore_mem>> -> memref<!tpu.dma_semaphore, #tpu.memory_space<semaphore_mem>>
        %dma_start3A_528 = arith.constant 0 : i32
        %dma_start3A_529 = arith.constant 0 : i32
        %dma_start3A_530 = tpu.memref_slice %arg7[%dma_start3A_518, %dma_start3A_528, %dma_start3A_529] : memref<5x128x128xf32, #tpu.memory_space<vmem>> -> memref<1x128x128xf32, #tpu.memory_space<vmem>>
        %dma_start3A_531 = tpu.memref_squeeze %dma_start3A_530 : memref<1x128x128xf32, #tpu.memory_space<vmem>> -> memref<128x128xf32, #tpu.memory_space<vmem>>
        %dma_start3A_532 = arith.constant 0 : i32
        %dma_start3A_533 = tpu.memref_slice %arg3[%add3A_517, %dma_start3A_532] : memref<819200x128xf32, #tpu.memory_space<hbm>> -> memref<128x128xf32, #tpu.memory_space<hbm>>
        tpu.enqueue_dma source(%dma_start3A_533 : memref<128x128xf32, #tpu.memory_space<hbm>>) target(%dma_start3A_531 : memref<128x128xf32, #tpu.memory_space<vmem>>) target_semaphore(%dma_start3A_527 : memref<!tpu.dma_semaphore, #tpu.memory_space<semaphore_mem>>)
      } else {
      }
      %mul3A_445 = arith.constant 128 : i32
      %mul3A_446 = arith.muli %add3A_437, %mul3A_445 : i32
      %add3A_447 = arith.addi %mul3A_2, %mul3A_446 : i32
      %dma_wait3A_448 = arith.constant 4 : i32
      %dma_wait3A_449 = arith.constant 4 : i32
      %dma_wait3A_450 = arith.constant 0 : i32
      %dma_wait3A_451 = arith.constant 0 : i32
      %dma_wait3A_452 = tpu.memref_slice %arg7[%dma_wait3A_448, %dma_wait3A_450, %dma_wait3A_451] : memref<5x128x128xf32, #tpu.memory_space<vmem>> -> memref<1x128x128xf32, #tpu.memory_space<vmem>>
      %dma_wait3A_453 = tpu.memref_squeeze %dma_wait3A_452 : memref<1x128x128xf32, #tpu.memory_space<vmem>> -> memref<128x128xf32, #tpu.memory_space<vmem>>
      %dma_wait3A_454 = arith.constant 0 : i32
      %dma_wait3A_455 = tpu.memref_slice %arg3[%add3A_447, %dma_wait3A_454] : memref<819200x128xf32, #tpu.memory_space<hbm>> -> memref<128x128xf32, #tpu.memory_space<hbm>>
      %dma_wait3A_456 = tpu.memref_slice %arg9[%dma_wait3A_449] : memref<5x!tpu.dma_semaphore, #tpu.memory_space<semaphore_mem>> -> memref<1x!tpu.dma_semaphore, #tpu.memory_space<semaphore_mem>>
      %dma_wait3A_457 = tpu.memref_squeeze %dma_wait3A_456 : memref<1x!tpu.dma_semaphore, #tpu.memory_space<semaphore_mem>> -> memref<!tpu.dma_semaphore, #tpu.memory_space<semaphore_mem>>
      %dma_wait3A_458 = arith.constant 0 : i32
      %dma_wait3A_459 = arith.constant 0 : i32
      %dma_wait3A_460 = tpu.memref_slice %arg7[%dma_wait3A_448, %dma_wait3A_458, %dma_wait3A_459] : memref<5x128x128xf32, #tpu.memory_space<vmem>> -> memref<1x128x128xf32, #tpu.memory_space<vmem>>
      %dma_wait3A_461 = tpu.memref_squeeze %dma_wait3A_460 : memref<1x128x128xf32, #tpu.memory_space<vmem>> -> memref<128x128xf32, #tpu.memory_space<vmem>>
      %dma_wait3A_462 = arith.constant 0 : i32
      %dma_wait3A_463 = tpu.memref_slice %arg3[%add3A_447, %dma_wait3A_462] : memref<819200x128xf32, #tpu.memory_space<hbm>> -> memref<128x128xf32, #tpu.memory_space<hbm>>
      tpu.wait_dma2 semaphore(%dma_wait3A_457 : memref<!tpu.dma_semaphore, #tpu.memory_space<semaphore_mem>>) src(%dma_wait3A_463 : memref<128x128xf32, #tpu.memory_space<hbm>>) dst(%dma_wait3A_461 : memref<128x128xf32, #tpu.memory_space<vmem>>)
      %mul3A_464 = arith.constant 128 : i32
      %mul3A_465 = arith.muli %add3A_437, %mul3A_464 : i32
      %dma_start3A_466 = arith.constant 4 : i32
      %dma_start3A_467 = arith.constant 4 : i32
      %dma_start3A_468 = arith.constant 0 : i32
      %dma_start3A_469 = arith.constant 0 : i32
      %dma_start3A_470 = tpu.memref_slice %arg7[%dma_start3A_466, %dma_start3A_468, %dma_start3A_469] : memref<5x128x128xf32, #tpu.memory_space<vmem>> -> memref<1x128x128xf32, #tpu.memory_space<vmem>>
      %dma_start3A_471 = tpu.memref_squeeze %dma_start3A_470 : memref<1x128x128xf32, #tpu.memory_space<vmem>> -> memref<128x128xf32, #tpu.memory_space<vmem>>
      %dma_start3A_472 = tpu.memref_slice %arg6[%mul3A_465] : memref<25600xi32, #tpu.memory_space<vmem>> -> memref<128xi32, #tpu.memory_space<vmem>>
      %dma_start3A_473 = arith.constant 0 : i32
      %dma_start3A_474 = arith.constant 0 : i32
      %dma_start3A_475 = tpu.memref_slice %arg8[%dma_start3A_473, %dma_start3A_474] : memref<1000x128xf32, #tpu.memory_space<vmem_shared>> -> memref<1000x128xf32, #tpu.memory_space<vmem_shared>>
      %dma_start3A_476 = tpu.memref_slice %arg10[%dma_start3A_467] : memref<5x!tpu.dma_semaphore, #tpu.memory_space<semaphore_mem>> -> memref<1x!tpu.dma_semaphore, #tpu.memory_space<semaphore_mem>>
      %dma_start3A_477 = tpu.memref_squeeze %dma_start3A_476 : memref<1x!tpu.dma_semaphore, #tpu.memory_space<semaphore_mem>> -> memref<!tpu.dma_semaphore, #tpu.memory_space<semaphore_mem>>
      tpu.enqueue_indirect_dma source(%dma_start3A_475 : memref<1000x128xf32, #tpu.memory_space<vmem_shared>>) target(%dma_start3A_471 : memref<128x128xf32, #tpu.memory_space<vmem>>) offsets(%dma_start3A_472 : memref<128xi32, #tpu.memory_space<vmem>>) semaphore(%dma_start3A_477 : memref<!tpu.dma_semaphore, #tpu.memory_space<semaphore_mem>>) {add = true}
      %dma_wait3A_478 = arith.constant 4 : i32
      %dma_wait3A_479 = arith.constant 4 : i32
      %dma_wait3A_480 = arith.constant 0 : i32
      %dma_wait3A_481 = arith.constant 0 : i32
      %dma_wait3A_482 = tpu.memref_slice %arg7[%dma_wait3A_478, %dma_wait3A_480, %dma_wait3A_481] : memref<5x128x128xf32, #tpu.memory_space<vmem>> -> memref<1x128x128xf32, #tpu.memory_space<vmem>>
      %dma_wait3A_483 = tpu.memref_squeeze %dma_wait3A_482 : memref<1x128x128xf32, #tpu.memory_space<vmem>> -> memref<128x128xf32, #tpu.memory_space<vmem>>
      %dma_wait3A_484 = tpu.memref_slice %arg6[%mul3A_465] : memref<25600xi32, #tpu.memory_space<vmem>> -> memref<128xi32, #tpu.memory_space<vmem>>
      %dma_wait3A_485 = arith.constant 0 : i32
      %dma_wait3A_486 = arith.constant 0 : i32
      %dma_wait3A_487 = tpu.memref_slice %arg8[%dma_wait3A_485, %dma_wait3A_486] : memref<1000x128xf32, #tpu.memory_space<vmem_shared>> -> memref<1000x128xf32, #tpu.memory_space<vmem_shared>>
      %dma_wait3A_488 = tpu.memref_slice %arg10[%dma_wait3A_479] : memref<5x!tpu.dma_semaphore, #tpu.memory_space<semaphore_mem>> -> memref<1x!tpu.dma_semaphore, #tpu.memory_space<semaphore_mem>>
      %dma_wait3A_489 = tpu.memref_squeeze %dma_wait3A_488 : memref<1x!tpu.dma_semaphore, #tpu.memory_space<semaphore_mem>> -> memref<!tpu.dma_semaphore, #tpu.memory_space<semaphore_mem>>
      tpu.wait_indirect_dma semaphore(%dma_wait3A_489 : memref<!tpu.dma_semaphore, #tpu.memory_space<semaphore_mem>>) src(%dma_wait3A_487 : memref<1000x128xf32, #tpu.memory_space<vmem_shared>>) dst(%dma_wait3A_483 : memref<128x128xf32, #tpu.memory_space<vmem>>)
      %mul3A_490 = arith.constant 128 : i32
      %mul3A_491 = arith.muli %add3A_437, %mul3A_490 : i32
      %add3A_492 = arith.addi %mul3A_2, %mul3A_491 : i32
      %dma_start3A_493 = arith.constant 4 : i32
      %dma_start3A_494 = arith.constant 4 : i32
      %dma_start3A_495 = arith.constant 0 : i32
      %dma_start3A_496 = arith.constant 0 : i32
      %dma_start3A_497 = tpu.memref_slice %arg7[%dma_start3A_493, %dma_start3A_495, %dma_start3A_496] : memref<5x128x128xf32, #tpu.memory_space<vmem>> -> memref<1x128x128xf32, #tpu.memory_space<vmem>>
      %dma_start3A_498 = tpu.memref_squeeze %dma_start3A_497 : memref<1x128x128xf32, #tpu.memory_space<vmem>> -> memref<128x128xf32, #tpu.memory_space<vmem>>
      %dma_start3A_499 = arith.constant 0 : i32
      %dma_start3A_500 = tpu.memref_slice %arg5[%add3A_492, %dma_start3A_499] : memref<819200x128xf32, #tpu.memory_space<hbm>> -> memref<128x128xf32, #tpu.memory_space<hbm>>
      %dma_start3A_501 = tpu.memref_slice %arg11[%dma_start3A_494] : memref<5x!tpu.dma_semaphore, #tpu.memory_space<semaphore_mem>> -> memref<1x!tpu.dma_semaphore, #tpu.memory_space<semaphore_mem>>
      %dma_start3A_502 = tpu.memref_squeeze %dma_start3A_501 : memref<1x!tpu.dma_semaphore, #tpu.memory_space<semaphore_mem>> -> memref<!tpu.dma_semaphore, #tpu.memory_space<semaphore_mem>>
      %dma_start3A_503 = arith.constant 0 : i32
      %dma_start3A_504 = tpu.memref_slice %arg5[%add3A_492, %dma_start3A_503] : memref<819200x128xf32, #tpu.memory_space<hbm>> -> memref<128x128xf32, #tpu.memory_space<hbm>>
      %dma_start3A_505 = arith.constant 0 : i32
      %dma_start3A_506 = arith.constant 0 : i32
      %dma_start3A_507 = tpu.memref_slice %arg7[%dma_start3A_493, %dma_start3A_505, %dma_start3A_506] : memref<5x128x128xf32, #tpu.memory_space<vmem>> -> memref<1x128x128xf32, #tpu.memory_space<vmem>>
      %dma_start3A_508 = tpu.memref_squeeze %dma_start3A_507 : memref<1x128x128xf32, #tpu.memory_space<vmem>> -> memref<128x128xf32, #tpu.memory_space<vmem>>
      tpu.enqueue_dma source(%dma_start3A_508 : memref<128x128xf32, #tpu.memory_space<vmem>>) target(%dma_start3A_504 : memref<128x128xf32, #tpu.memory_space<hbm>>) target_semaphore(%dma_start3A_502 : memref<!tpu.dma_semaphore, #tpu.memory_space<semaphore_mem>>)
    }
    %scan3A_44 = arith.constant 40 : i32
    %add3A_45 = arith.constant 0 : i32
    %add3A_46 = arith.addi %mul3A_2, %add3A_45 : i32
    %dma_wait3A = arith.constant 0 : i32
    %dma_wait3A_47 = arith.constant 0 : i32
    %dma_wait3A_48 = arith.constant 0 : i32
    %dma_wait3A_49 = arith.constant 0 : i32
    %dma_wait3A_50 = tpu.memref_slice %arg7[%dma_wait3A, %dma_wait3A_48, %dma_wait3A_49] : memref<5x128x128xf32, #tpu.memory_space<vmem>> -> memref<1x128x128xf32, #tpu.memory_space<vmem>>
    %dma_wait3A_51 = tpu.memref_squeeze %dma_wait3A_50 : memref<1x128x128xf32, #tpu.memory_space<vmem>> -> memref<128x128xf32, #tpu.memory_space<vmem>>
    %dma_wait3A_52 = arith.constant 0 : i32
    %dma_wait3A_53 = tpu.memref_slice %arg5[%add3A_46, %dma_wait3A_52] : memref<819200x128xf32, #tpu.memory_space<hbm>> -> memref<128x128xf32, #tpu.memory_space<hbm>>
    %dma_wait3A_54 = tpu.memref_slice %arg11[%dma_wait3A_47] : memref<5x!tpu.dma_semaphore, #tpu.memory_space<semaphore_mem>> -> memref<1x!tpu.dma_semaphore, #tpu.memory_space<semaphore_mem>>
    %dma_wait3A_55 = tpu.memref_squeeze %dma_wait3A_54 : memref<1x!tpu.dma_semaphore, #tpu.memory_space<semaphore_mem>> -> memref<!tpu.dma_semaphore, #tpu.memory_space<semaphore_mem>>
    %dma_wait3A_56 = arith.constant 0 : i32
    %dma_wait3A_57 = tpu.memref_slice %arg5[%add3A_46, %dma_wait3A_56] : memref<819200x128xf32, #tpu.memory_space<hbm>> -> memref<128x128xf32, #tpu.memory_space<hbm>>
    %dma_wait3A_58 = arith.constant 0 : i32
    %dma_wait3A_59 = arith.constant 0 : i32
    %dma_wait3A_60 = tpu.memref_slice %arg7[%dma_wait3A, %dma_wait3A_58, %dma_wait3A_59] : memref<5x128x128xf32, #tpu.memory_space<vmem>> -> memref<1x128x128xf32, #tpu.memory_space<vmem>>
    %dma_wait3A_61 = tpu.memref_squeeze %dma_wait3A_60 : memref<1x128x128xf32, #tpu.memory_space<vmem>> -> memref<128x128xf32, #tpu.memory_space<vmem>>
    tpu.wait_dma2 semaphore(%dma_wait3A_55 : memref<!tpu.dma_semaphore, #tpu.memory_space<semaphore_mem>>) src(%dma_wait3A_61 : memref<128x128xf32, #tpu.memory_space<vmem>>) dst(%dma_wait3A_57 : memref<128x128xf32, #tpu.memory_space<hbm>>)
    %add3A_62 = arith.constant 128 : i32
    %add3A_63 = arith.addi %mul3A_2, %add3A_62 : i32
    %dma_wait3A_64 = arith.constant 1 : i32
    %dma_wait3A_65 = arith.constant 1 : i32
    %dma_wait3A_66 = arith.constant 0 : i32
    %dma_wait3A_67 = arith.constant 0 : i32
    %dma_wait3A_68 = tpu.memref_slice %arg7[%dma_wait3A_64, %dma_wait3A_66, %dma_wait3A_67] : memref<5x128x128xf32, #tpu.memory_space<vmem>> -> memref<1x128x128xf32, #tpu.memory_space<vmem>>
    %dma_wait3A_69 = tpu.memref_squeeze %dma_wait3A_68 : memref<1x128x128xf32, #tpu.memory_space<vmem>> -> memref<128x128xf32, #tpu.memory_space<vmem>>
    %dma_wait3A_70 = arith.constant 0 : i32
    %dma_wait3A_71 = tpu.memref_slice %arg5[%add3A_63, %dma_wait3A_70] : memref<819200x128xf32, #tpu.memory_space<hbm>> -> memref<128x128xf32, #tpu.memory_space<hbm>>
    %dma_wait3A_72 = tpu.memref_slice %arg11[%dma_wait3A_65] : memref<5x!tpu.dma_semaphore, #tpu.memory_space<semaphore_mem>> -> memref<1x!tpu.dma_semaphore, #tpu.memory_space<semaphore_mem>>
    %dma_wait3A_73 = tpu.memref_squeeze %dma_wait3A_72 : memref<1x!tpu.dma_semaphore, #tpu.memory_space<semaphore_mem>> -> memref<!tpu.dma_semaphore, #tpu.memory_space<semaphore_mem>>
    %dma_wait3A_74 = arith.constant 0 : i32
    %dma_wait3A_75 = tpu.memref_slice %arg5[%add3A_63, %dma_wait3A_74] : memref<819200x128xf32, #tpu.memory_space<hbm>> -> memref<128x128xf32, #tpu.memory_space<hbm>>
    %dma_wait3A_76 = arith.constant 0 : i32
    %dma_wait3A_77 = arith.constant 0 : i32
    %dma_wait3A_78 = tpu.memref_slice %arg7[%dma_wait3A_64, %dma_wait3A_76, %dma_wait3A_77] : memref<5x128x128xf32, #tpu.memory_space<vmem>> -> memref<1x128x128xf32, #tpu.memory_space<vmem>>
    %dma_wait3A_79 = tpu.memref_squeeze %dma_wait3A_78 : memref<1x128x128xf32, #tpu.memory_space<vmem>> -> memref<128x128xf32, #tpu.memory_space<vmem>>
    tpu.wait_dma2 semaphore(%dma_wait3A_73 : memref<!tpu.dma_semaphore, #tpu.memory_space<semaphore_mem>>) src(%dma_wait3A_79 : memref<128x128xf32, #tpu.memory_space<vmem>>) dst(%dma_wait3A_75 : memref<128x128xf32, #tpu.memory_space<hbm>>)
    %add3A_80 = arith.constant 256 : i32
    %add3A_81 = arith.addi %mul3A_2, %add3A_80 : i32
    %dma_wait3A_82 = arith.constant 2 : i32
    %dma_wait3A_83 = arith.constant 2 : i32
    %dma_wait3A_84 = arith.constant 0 : i32
    %dma_wait3A_85 = arith.constant 0 : i32
    %dma_wait3A_86 = tpu.memref_slice %arg7[%dma_wait3A_82, %dma_wait3A_84, %dma_wait3A_85] : memref<5x128x128xf32, #tpu.memory_space<vmem>> -> memref<1x128x128xf32, #tpu.memory_space<vmem>>
    %dma_wait3A_87 = tpu.memref_squeeze %dma_wait3A_86 : memref<1x128x128xf32, #tpu.memory_space<vmem>> -> memref<128x128xf32, #tpu.memory_space<vmem>>
    %dma_wait3A_88 = arith.constant 0 : i32
    %dma_wait3A_89 = tpu.memref_slice %arg5[%add3A_81, %dma_wait3A_88] : memref<819200x128xf32, #tpu.memory_space<hbm>> -> memref<128x128xf32, #tpu.memory_space<hbm>>
    %dma_wait3A_90 = tpu.memref_slice %arg11[%dma_wait3A_83] : memref<5x!tpu.dma_semaphore, #tpu.memory_space<semaphore_mem>> -> memref<1x!tpu.dma_semaphore, #tpu.memory_space<semaphore_mem>>
    %dma_wait3A_91 = tpu.memref_squeeze %dma_wait3A_90 : memref<1x!tpu.dma_semaphore, #tpu.memory_space<semaphore_mem>> -> memref<!tpu.dma_semaphore, #tpu.memory_space<semaphore_mem>>
    %dma_wait3A_92 = arith.constant 0 : i32
    %dma_wait3A_93 = tpu.memref_slice %arg5[%add3A_81, %dma_wait3A_92] : memref<819200x128xf32, #tpu.memory_space<hbm>> -> memref<128x128xf32, #tpu.memory_space<hbm>>
    %dma_wait3A_94 = arith.constant 0 : i32
    %dma_wait3A_95 = arith.constant 0 : i32
    %dma_wait3A_96 = tpu.memref_slice %arg7[%dma_wait3A_82, %dma_wait3A_94, %dma_wait3A_95] : memref<5x128x128xf32, #tpu.memory_space<vmem>> -> memref<1x128x128xf32, #tpu.memory_space<vmem>>
    %dma_wait3A_97 = tpu.memref_squeeze %dma_wait3A_96 : memref<1x128x128xf32, #tpu.memory_space<vmem>> -> memref<128x128xf32, #tpu.memory_space<vmem>>
    tpu.wait_dma2 semaphore(%dma_wait3A_91 : memref<!tpu.dma_semaphore, #tpu.memory_space<semaphore_mem>>) src(%dma_wait3A_97 : memref<128x128xf32, #tpu.memory_space<vmem>>) dst(%dma_wait3A_93 : memref<128x128xf32, #tpu.memory_space<hbm>>)
    %add3A_98 = arith.constant 384 : i32
    %add3A_99 = arith.addi %mul3A_2, %add3A_98 : i32
    %dma_wait3A_100 = arith.constant 3 : i32
    %dma_wait3A_101 = arith.constant 3 : i32
    %dma_wait3A_102 = arith.constant 0 : i32
    %dma_wait3A_103 = arith.constant 0 : i32
    %dma_wait3A_104 = tpu.memref_slice %arg7[%dma_wait3A_100, %dma_wait3A_102, %dma_wait3A_103] : memref<5x128x128xf32, #tpu.memory_space<vmem>> -> memref<1x128x128xf32, #tpu.memory_space<vmem>>
    %dma_wait3A_105 = tpu.memref_squeeze %dma_wait3A_104 : memref<1x128x128xf32, #tpu.memory_space<vmem>> -> memref<128x128xf32, #tpu.memory_space<vmem>>
    %dma_wait3A_106 = arith.constant 0 : i32
    %dma_wait3A_107 = tpu.memref_slice %arg5[%add3A_99, %dma_wait3A_106] : memref<819200x128xf32, #tpu.memory_space<hbm>> -> memref<128x128xf32, #tpu.memory_space<hbm>>
    %dma_wait3A_108 = tpu.memref_slice %arg11[%dma_wait3A_101] : memref<5x!tpu.dma_semaphore, #tpu.memory_space<semaphore_mem>> -> memref<1x!tpu.dma_semaphore, #tpu.memory_space<semaphore_mem>>
    %dma_wait3A_109 = tpu.memref_squeeze %dma_wait3A_108 : memref<1x!tpu.dma_semaphore, #tpu.memory_space<semaphore_mem>> -> memref<!tpu.dma_semaphore, #tpu.memory_space<semaphore_mem>>
    %dma_wait3A_110 = arith.constant 0 : i32
    %dma_wait3A_111 = tpu.memref_slice %arg5[%add3A_99, %dma_wait3A_110] : memref<819200x128xf32, #tpu.memory_space<hbm>> -> memref<128x128xf32, #tpu.memory_space<hbm>>
    %dma_wait3A_112 = arith.constant 0 : i32
    %dma_wait3A_113 = arith.constant 0 : i32
    %dma_wait3A_114 = tpu.memref_slice %arg7[%dma_wait3A_100, %dma_wait3A_112, %dma_wait3A_113] : memref<5x128x128xf32, #tpu.memory_space<vmem>> -> memref<1x128x128xf32, #tpu.memory_space<vmem>>
    %dma_wait3A_115 = tpu.memref_squeeze %dma_wait3A_114 : memref<1x128x128xf32, #tpu.memory_space<vmem>> -> memref<128x128xf32, #tpu.memory_space<vmem>>
    tpu.wait_dma2 semaphore(%dma_wait3A_109 : memref<!tpu.dma_semaphore, #tpu.memory_space<semaphore_mem>>) src(%dma_wait3A_115 : memref<128x128xf32, #tpu.memory_space<vmem>>) dst(%dma_wait3A_111 : memref<128x128xf32, #tpu.memory_space<hbm>>)
    %add3A_116 = arith.constant 512 : i32
    %add3A_117 = arith.addi %mul3A_2, %add3A_116 : i32
    %dma_wait3A_118 = arith.constant 4 : i32
    %dma_wait3A_119 = arith.constant 4 : i32
    %dma_wait3A_120 = arith.constant 0 : i32
    %dma_wait3A_121 = arith.constant 0 : i32
    %dma_wait3A_122 = tpu.memref_slice %arg7[%dma_wait3A_118, %dma_wait3A_120, %dma_wait3A_121] : memref<5x128x128xf32, #tpu.memory_space<vmem>> -> memref<1x128x128xf32, #tpu.memory_space<vmem>>
    %dma_wait3A_123 = tpu.memref_squeeze %dma_wait3A_122 : memref<1x128x128xf32, #tpu.memory_space<vmem>> -> memref<128x128xf32, #tpu.memory_space<vmem>>
    %dma_wait3A_124 = arith.constant 0 : i32
    %dma_wait3A_125 = tpu.memref_slice %arg5[%add3A_117, %dma_wait3A_124] : memref<819200x128xf32, #tpu.memory_space<hbm>> -> memref<128x128xf32, #tpu.memory_space<hbm>>
    %dma_wait3A_126 = tpu.memref_slice %arg11[%dma_wait3A_119] : memref<5x!tpu.dma_semaphore, #tpu.memory_space<semaphore_mem>> -> memref<1x!tpu.dma_semaphore, #tpu.memory_space<semaphore_mem>>
    %dma_wait3A_127 = tpu.memref_squeeze %dma_wait3A_126 : memref<1x!tpu.dma_semaphore, #tpu.memory_space<semaphore_mem>> -> memref<!tpu.dma_semaphore, #tpu.memory_space<semaphore_mem>>
    %dma_wait3A_128 = arith.constant 0 : i32
    %dma_wait3A_129 = tpu.memref_slice %arg5[%add3A_117, %dma_wait3A_128] : memref<819200x128xf32, #tpu.memory_space<hbm>> -> memref<128x128xf32, #tpu.memory_space<hbm>>
    %dma_wait3A_130 = arith.constant 0 : i32
    %dma_wait3A_131 = arith.constant 0 : i32
    %dma_wait3A_132 = tpu.memref_slice %arg7[%dma_wait3A_118, %dma_wait3A_130, %dma_wait3A_131] : memref<5x128x128xf32, #tpu.memory_space<vmem>> -> memref<1x128x128xf32, #tpu.memory_space<vmem>>
    %dma_wait3A_133 = tpu.memref_squeeze %dma_wait3A_132 : memref<1x128x128xf32, #tpu.memory_space<vmem>> -> memref<128x128xf32, #tpu.memory_space<vmem>>
    tpu.wait_dma2 semaphore(%dma_wait3A_127 : memref<!tpu.dma_semaphore, #tpu.memory_space<semaphore_mem>>) src(%dma_wait3A_133 : memref<128x128xf32, #tpu.memory_space<vmem>>) dst(%dma_wait3A_129 : memref<128x128xf32, #tpu.memory_space<hbm>>)
    return
  }
}

</mosaic_0001>

<sc_bundles>
// kernel: kernel.3.cloned.1.call-start
scs
__scs_entry_jumppad:
0x0: {  	(pc) =	sbr.rel $0x88, $3  }
0x1: {  	(tag) =	ssettag $0x0;
	lr =	simm.s32 $0x1  }
0x2: {  	[smem:$0x3F9E] =	sst lr;
	_ =	strace $0xD0000000  }
0x3: {  	_ = 	snop  }
0x4: {  	_ = 	snop  }
0x5: {  	_ = 	snop  }
0x6: {  	_ = 	snop  }
0x7: {  	_ = 	snop  }
__scs_overlays_trampoline_lowered:
0x8: {  	[smem:$0x3FAD] =	sst s0  }
0x9: {  	[smem:$0x3FAE] =	sst s1  }
0xa: {  	[smem:$0x3FAF] =	sst s2  }
0xb: {  	[smem:$0x3FB0] =	sst s3  }
0xc: {  	[smem:$0x3FB1] =	sst s4  }
0xd: {  	[smem:$0x3FB2] =	sst s5  }
0xe: {  	[smem:$0x3FB3] =	sst s6  }
0xf: {  	[smem:$0x3FB4] =	sst s7  }
0x10: {  	[smem:$0x3FB5] =	sst s8  }
0x11: {  	[smem:$0x3FB6] =	sst s9;
	s0 =	simm.s32 @!p0 $0x0  }
0x12: {  	s1 =	sld [smem:$0x3F9C];
	s0 =	simm.s32 @p0 $0x1  }
0x13: {  	[smem:$0x3FB7] =	sst s0;
	s0 =	simm.s32 @!p1 $0x0  }
0x14: {  	s2 =	sld [smem:$0x3F9B];
	s0 =	simm.s32 @p1 $0x1  }
0x15: {  	[smem:$0x3FB8] =	sst s0;
	s0 =	simm.s32 @!p2 $0x0  }
0x16: {  	s3 =	sld [smem:$0x3FDB];
	s0 =	simm.s32 @p2 $0x1  }
0x17: {  	s4 =	simm.s32 $0x1BF5;
	[smem:$0x3FBA] =	sst s0  }
0x18: {  	s0 =	sld [smem:$0x3F9D];
	_ =	swait.ge [sflag:s4], $0x0  }
0x19: {  	s7 =	sld [smem:$0x3F9E]  }
0x1a: {  	s8 =	sadd.s32 $0xFFFFE003, lr  }
0x1b: {  	s9 =	sadd.s32 $0xFFFFFEF7, lr;
	s5 =	simm.s32 $0xFFFFFFFF;
	p2 =	slt.u32 s8, $0xFFFFF086  }
0x1c: {  	p1 =	slt.u32 s9, $0xF7A;
	s5 =	simm.s32 @!p2 $0x0  }
0x1d: {  	s5 =	simm.s32 @p1 $0x1;
	p0 =	seq.s32 s7, s2  }
0x1e: {  	s7 =	smul.u32 @!p0 $0xF7A, s2;
	p2 =	seq.s32 @!p0 s5, $0x0  }
0x1f: {  	s9 =	smul.u32 $0xF7A, s1;
	s8 =	simm.s32 @!p0 $0x1BF5;
	p2 =	por !p2, p0  }
0x20: {  	[sflag:s8] =	ssyncset.s32 @!p0 $0xFFFFF086;
	s6 =	sadd.s32 @!p0 s3, s7;
	s7 =	simm.s32 @!p0 $0x108  }
0x21: {  	s3 =	sadd.s32 s3, s9;
	s6 =	sadd.s32 @!p0 $0x88, s6;
	s7 =	simm.s32 @p2 $0x1082  }
0x22: {  	[simem:s7], [sflag:s8] =	dma.local @!p0 [hbm:s6], $0xF7A  }
0x23: {  	s9 =	sor.u32 $0xD0000000, s2;
	s6 =	simm.s32 $0x108;
	_ =	swait.ge @!p0 [sflag:s8], $0x0  }
0x24: {  	s3 =	sadd.s32 $0x88, s3;
	s6 =	simm.s32 @!p1 $0x1082;
	[sflag:s4] =	ssyncset.s32 $0xFFFFF086  }
0x25: {  	[simem:s6], [sflag:s4] =	dma.local [hbm:s3], $0xF7A  }
0x26: {  	[smem:$0x3F9E] =	sst s1;
	(tag) =	ssettag s2;
	_ =	strace s9  }
0x27: {  	s1 =	sld [smem:$0x3FAE]  }
0x28: {  	s2 =	sld [smem:$0x3FAF]  }
0x29: {  	s4 =	sld [smem:$0x3FB1]  }
0x2a: {  	p0 =	seq.s32 s5, $0x0;
	s5 =	sld [smem:$0x3FB2]  }
0x2b: {  	s6 =	sld [smem:$0x3FB3]  }
0x2c: {  	s7 =	sld [smem:$0x3FB4]  }
0x2d: {  	s3 =	simm.s32 $0x108;
	s8 =	sld [smem:$0x3FB5]  }
0x2e: {  	s3 =	simm.s32 @!p0 $0x1082;
	s9 =	sld [smem:$0x3FB6]  }
0x2f: {  	lr =	sadd.s32 s0, s3;
	s0 =	sld [smem:$0x3FAD]  }
0x30: {  	s3 =	sld [smem:$0x3FB0]  }
0x31: {  	[smem:$0x3FB9] =	sst s10  }
0x32: {  	s10 =	sld [smem:$0x3FB7];
	_ =	sdelay $0x3  }
0x33: {  	p0 =	seq.s32 s10, $0x1;
	s10 =	sld [smem:$0x3FB9];
	_ =	sdelay $0x3  }
0x34: {  	[smem:$0x3FB9] =	sst s10  }
0x35: {  	s10 =	sld [smem:$0x3FB8];
	_ =	sdelay $0x3  }
0x36: {  	p1 =	seq.s32 s10, $0x1;
	s10 =	sld [smem:$0x3FB9];
	_ =	sdelay $0x3  }
0x37: {  	[smem:$0x3FB9] =	sst s10  }
0x38: {  	s10 =	sld [smem:$0x3FBA]  }
0x39: {  	_ = 	snop;
	(pc) =	sbr.ind lr, $3  }
0x3a: {  	_ = 	snop  }
0x3b: {  	_ = 	snop  }
0x3c: {  	p2 =	seq.s32 s10, $0x1;
	s10 =	sld [smem:$0x3FB9]  }
0x3d: {  	_ =	shalt  }
0x3e: {  	_ =	shalt  }
0x3f: {  	_ =	shalt  }
0x40: {  	_ =	shalt  }
0x41: {  	_ =	shalt  }
0x42: {  	_ =	shalt  }
0x43: {  	_ =	shalt  }
0x44: {  	_ =	shalt  }
0x45: {  	_ =	shalt  }
0x46: {  	_ =	shalt  }
0x47: {  	_ =	shalt  }
0x48: {  	_ =	shalt  }
0x49: {  	_ =	shalt  }
0x4a: {  	_ =	shalt  }
0x4b: {  	_ =	shalt  }
0x4c: {  	_ =	shalt  }
0x4d: {  	_ =	shalt  }
0x4e: {  	_ =	shalt  }
0x4f: {  	_ =	shalt  }
0x50: {  	_ =	shalt  }
0x51: {  	_ =	shalt  }
0x52: {  	_ =	shalt  }
0x53: {  	_ =	shalt  }
0x54: {  	_ =	shalt  }
0x55: {  	_ =	shalt  }
0x56: {  	_ =	shalt  }
0x57: {  	_ =	shalt  }
0x58: {  	_ =	shalt  }
0x59: {  	_ =	shalt  }
0x5a: {  	_ =	shalt  }
0x5b: {  	_ =	shalt  }
0x5c: {  	_ =	shalt  }
0x5d: {  	_ =	shalt  }
0x5e: {  	_ =	shalt  }
0x5f: {  	_ =	shalt  }
0x60: {  	_ =	shalt  }
0x61: {  	_ =	shalt  }
0x62: {  	_ =	shalt  }
0x63: {  	_ =	shalt  }
0x64: {  	_ =	shalt  }
0x65: {  	_ =	shalt  }
0x66: {  	_ =	shalt  }
0x67: {  	_ =	shalt  }
0x68: {  	_ =	shalt  }
0x69: {  	_ =	shalt  }
0x6a: {  	_ =	shalt  }
0x6b: {  	_ =	shalt  }
0x6c: {  	_ =	shalt  }
0x6d: {  	_ =	shalt  }
0x6e: {  	_ =	shalt  }
0x6f: {  	_ =	shalt  }
0x70: {  	_ =	shalt  }
0x71: {  	_ =	shalt  }
0x72: {  	_ =	shalt  }
0x73: {  	_ =	shalt  }
0x74: {  	_ =	shalt  }
0x75: {  	_ =	shalt  }
0x76: {  	_ =	shalt  }
0x77: {  	_ =	shalt  }
0x78: {  	_ =	shalt  }
0x79: {  	_ =	shalt  }
0x7a: {  	_ =	shalt  }
0x7b: {  	_ =	shalt  }
0x7c: {  	_ =	shalt  }
0x7d: {  	_ =	shalt  }
0x7e: {  	_ =	shalt  }
0x7f: {  	_ =	shalt  }
0x80: {  	_ =	shalt  }
0x81: {  	_ =	shalt  }
0x82: {  	_ =	shalt  }
0x83: {  	_ =	shalt  }
0x84: {  	_ =	shalt  }
0x85: {  	_ =	shalt  }
0x86: {  	_ =	shalt  }
0x87: {  	_ =	shalt  }
.Lfunc_end0:
.L_simem_size_0:
called_computation_lowered:
.L_overlay_start_0:
0x88: {  	s2 =	sld [smem:$0x3FD9]  }
0x89: {  	s3 =	sld [smem:$0x3FFE];
	_ =	sdelay $0x1  }
0x8a: {  	s1 =	srdreg.scid  }
0x8b: {  	s0 =	sand.u32 $0x1, s1  }
0x8c: {  	s17 =	sshll.u32 s0, $0xA;
	s2 =	sadd.s32 s3, s2  }
0x8d: {  	s2 =	sadd.s32 s2, s17  }
0x8e: {  	[smem:$0x3FC5] =	sst s2  }
0x8f: {  	_ = 	snop  }
0x90: {  	s2 =	sld [smem:$0x3FC8]  }
0x91: {  	s18 =	sld [smem:$0x3FC7]  }
0x92: {  	s4 =	sld [smem:$0x3FD0];
	(tm) =	ssettm $0x1  }
0x93: {  	s5 =	sld [smem:$0x3FFB];
	_ =	sdelay $0x3  }
0x94: {  	_ =	strace s5  }
0x95: {  	s5 =	sld [smem:$0x3FFC];
	_ =	sdelay $0x3  }
0x96: {  	_ =	strace s5  }
0x97: {  	s5 =	sld [smem:$0x3FFD];
	_ =	sdelay $0x3  }
0x98: {  	_ =	strace s5  }
0x99: {  	_ =	strace $0x8FFFFFFF  }
0x9a: {  	s19 =	sld [smem:$0x3FDB];
	_ =	sdelay $0x1  }
0x9b: {  	s6 =	simm.s32 $_scs_section_size  }
0x9c: {  	s7 =	simm.s32 $_size__tile_overlayer_lowered;
	s8 =	simm.s32 $_tile_overlayer_lowered  }
0x9d: {  	s22 =	simm.s32 $0x1BFF;
	s21 =	sshll.u32 s8, $0x1;
	s5 =	sadd.s32 s6, s19  }
0x9e: {  	s9 =	simm.s32 $0x0;
	s20 =	sshll.u32 s7, $0x1;
	s7 =	sadd.s32 s21, s5  }
0x9f: {  	[timem:s9], [sflag:s22] =	dma.local [hbm:s7], s20  }
0xa0: {  	_ =	swait.ge [sflag:s22], s20  }
0xa1: {  	s6 =	ssub.s32 $0x0, s20;
	[sflag:s22] =	ssyncset.done $0x0  }
0xa2: {  	[sflag:s22] =	ssyncadd.s32 s6;
	_ =	sdelay $0x1  }
0xa3: {  	s23 =	simm.s32 $0x1B8B  }
0xa4: {  	_ =	swait.ge [sflag:s23], $0x1  }
0xa5: {  	[sflag:s23] =	ssyncset.done $0x0  }
0xa6: {  	s25 =	simm.s32 $0x1B8E;
	s24 =	sld [smem:$0x3FFE];
	[sflag:s23] =	ssyncadd.s32 $0xFFFFFFFF  }
0xa7: {  	s26 =	simm.s32 $execute0_lowered;
	[smem:$0x3FD2] =	sst s25  }
0xa8: {  	s7 =	sshll.u32 s26, $0x1;
	_ =	strace $0x80000046;
	[dreg:$0x1] =	wrdreg $0xFFFFFFFF  }
0xa9: {  	s28 =	simm.s32 $_size_execute0_lowered;
	s5 =	sadd.s32 s5, s7;
	[dreg:$0x0] =	wrdreg $0x0  }
0xaa: {  	s7 =	sshll.u32 s28, $0x1;
	[dreg:$0x2] =	wrdreg s5  }
0xab: {  	[dreg:$0x3] =	wrdreg s7  }
0xac: {  	[dreg:$0x4] =	wrdreg $0xC0  }
0xad: {  	_ =	task [dreg:s9], $0x5FFFF  }
0xae: {  	[dreg:$0x1] =	wrdreg $0xFFFFFFFF  }
0xaf: {  	[dreg:$0x0] =	wrdreg $0x60  }
0xb0: {  	[dreg:$0x2] =	wrdreg s24  }
0xb1: {  	[dreg:$0x3] =	wrdreg s2  }
0xb2: {  	[dreg:$0x4] =	wrdreg s18  }
0xb3: {  	[dreg:$0x5] =	wrdreg s4  }
0xb4: {  	[dreg:$0x6] =	wrdreg $0x1A4000  }
0xb5: {  	[dreg:$0x7] =	wrdreg $0x9  }
0xb6: {  	_ =	task.clear_ibuf [dreg:s9], $0x8FFFF;
	_ =	strace $0x90000046  }
0xb7: {  	s29 =	simm.s32 $0x9;
	_ =	strace $0x80000048  }
0xb8: {  	_ =	swait.ge [sflag:s29], $0x1  }
0xb9: {  	[sflag:s29] =	ssyncadd.s32 $0xFFFFFFFF  }
0xba: {  	_ =	strace $0x90000048  }
0xbb: {  	_ =	sfence  }
0xbc: {  	s30 =	sld [smem:$0x0];
	_ =	sdelay $0x2  }
0xbd: {  	s31 =	sshll.u32 s1, $0xD;
	s1 =	sshrl.u32 s1, $0x2  }
0xbe: {  	s3 =	sand.u32 $0x4000, s31;
	s1 =	sadd.s32 s1, s30  }
0xbf: {  	s0 =	sor.u32 s3, s0;
	s1 =	sshll.u32 s1, $0x11  }
0xc0: {  	s0 =	sor.u32 s1, s0  }
0xc1: {  	s0 =	sadd.s32 $0x8F2B, s0  }
0xc2: {  	[sflag:s0] =	ssyncadd.remote.s32 $0x1  }
0xc3: {  	_ =	sfence.sel $0xFFFF  }
0xc4: {  	[dreg:$0x0] =	wrdreg $0xFFFFFFFF;
	(pc) =	sbr.abs _section_cstart, $3  }
0xc5: {  	[dreg:$0x1] =	wrdreg $0xFFFFFFFF  }
0xc6: {  	_ =	task.clear_ibuf [dreg:s9], $0x2FFFF;
	_ =	strace $0x9FFFFFFF  }
0xc7: {  	(tm) =	ssettm $0x7FFFFFFF  }
tec
execute0_lowered:
.L_overlay_start_1:
0x0: {  	(tag) =	ssettag $0x1  }
0x1: {  	s0 =	rddreg [dreg:$0x0]  }
0x2: {  	s1 =	rddreg [dreg:$0x1]  }
0x3: {  	s4 =	rddreg [dreg:$0x3]  }
0x4: {  	s2 =	rddreg [dreg:$0x4]  }
0x5: {  	s3 =	srdreg.scid;
	s6 =	stileid.u32  }
0x6: {  	s28 =	simm.s32 $0xC;
	s29 =	simm.s32 $0xD;
	s30 =	simm.s32 $0xE  }
0x7: {  	s31 =	simm.s32 $0xF;
	s5 =	sand.u32 $0x1, s3;
	s8 =	smul.u32 $0x640000, s6  }
0x8: {  	s7 =	sshll.u32 s6, $0x1;
	s3 =	simm.s32 $0x0;
	s23 =	smul.u32 $0xC8000, s6  }
0x9: {  	p0 =	sne.s32 s6, $0x0;
	s7 =	sor.u32 s5, s7;
	s9 =	smul.u32 $0x320000, s5  }
0xa: {  	[smem:$0x7FF] =	sst s3;
	s11 =	ssub.s32 $0x2, s5;
	s5 =	smul.u32 $0x64000, s5  }
0xb: {  	s10 =	smul.u32 $0x6400, s7;
	_ =	strace $0x80000047;
	s20 =	sshrl.u32 s11, $0x1  }
0xc: {  	s25 =	sadd.s32 s23, s4;
	s8 =	sadd.s32 s9, s8;
	s9 =	ssub.s32 s11, s20  }
0xd: {  	s5 =	sadd.s32 s5, s25;
	s11 =	simm.s32 $0xA400;
	s19 =	sshrl.u32 s10, $0x3  }
0xe: {  	s12 =	sor.u32 $0x18000, s8;
	s22 =	sor.u32 $0x14000, s8;
	s26 =	sor.u32 $0x10000, s8  }
0xf: {  	[dreg:$0x8] =	wrdreg s5;
	s15 =	sor.u32 $0xC000, s8;
	s20 =	sor.u32 $0x4000, s8  }
0x10: {  	s8 =	sor.u32 $0x8000, s8;
	s0 =	sadd.s32 s19, s0;
	s21 =	sshrl.u32 s12, $0x3  }
0x11: {  	s24 =	sshrl.u32 s22, $0x3;
	s13 =	sshrl.u32 s26, $0x3;
	s17 =	sshrl.u32 s15, $0x3  }
0x12: {  	s19 =	smul.u32 $0x64000, s7;
	s22 =	sshrl.u32 s8, $0x3;
	s26 =	smax.u32 s9, $0x1  }
0x13: {  	s12 =	simm.s32 $0xE400;
	s10 =	sadd.s32 s21, s1;
	[dreg:$0x13] =	wrdreg s26  }
0x14: {  	s15 =	simm.s32 $0x6;
	s14 =	sadd.s32 s13, s4;
	[dreg:$0x6] =	wrdreg s10  }
0x15: {  	s16 =	sadd.s32 s13, s1;
	s0 =	sadd.s32 $0x400, s0;
	[dreg:$0x9] =	wrdreg s14  }
0x16: {  	s18 =	sadd.s32 s17, s4;
	s21 =	sadd.s32 s17, s1;
	[dreg:$0x10] =	wrdreg s0  }
0x17: {  	s23 =	sadd.s32 s22, s4;
	s25 =	sadd.s32 s22, s1;
	[dreg:$0xa] =	wrdreg s16  }
0x18: {  	s13 =	simm.s32 $0x1;
	s17 =	simm.s32 $0x2;
	[dreg:$0xb] =	wrdreg s18  }
0x19: {  	s22 =	simm.s32 $0x4;
	s26 =	simm.s32 $0xB;
	[dreg:$0xc] =	wrdreg s21  }
0x1a: {  	s10 =	sadd.s32 s24, s1;
	s0 =	sshrl.u32 s20, $0x3;
	[dreg:$0xe] =	wrdreg s23  }
0x1b: {  	s5 =	sadd.s32 s1, s19;
	[dreg:$0xf] =	wrdreg s25;
	s14 =	simm.s32 $0x80  }
0x1c: {  	s16 =	simm.s32 $0x12400;
	s18 =	simm.s32 $0x7;
	s19 =	simm.s32 $0x16400  }
0x1d: {  	s20 =	simm.s32 $0x3;
	s21 =	simm.s32 $0x8;
	[dreg:$0x7] =	wrdreg s10  }
0x1e: {  	s23 =	simm.s32 $0x9;
	s0 =	sadd.s32 s0, s4;
	[dreg:$0x11] =	wrdreg s5  }
0x1f: {  	s25 =	simm.s32 $0xA;
	s24 =	sadd.s32 $0x800, s5;
	[dreg:$0xd] =	wrdreg s0  }
0x20: {  	s10 =	simm.s32 $0x6400;
	[dreg:$0x12] =	wrdreg s24;
	s0 =	sshrl.u32 @!p0 s2, $0x3  }
0x21: {  	s24 =	simm.s32 $0x5;
	[dreg:$0x14] =	wrdreg s0;
	s0 =	simm.s32 $0x0  }
.LBB2_1:
0x22: {  	s4 =	rddreg [dreg:$0x2]  }
0x23: {  	s1 =	simm.s32 @!p0 $0x1C10;
	s5 =	rddreg [dreg:$0x14]  }
0x24: {  	[spmem:s5], [sflag:s1] =	dma.local @!p0 [hbm:s4], $0x3E80  }
0x25: {  	s1 =	simm.s32 @!p0 $0x10  }
0x26: {  	_ =	swait.ge @!p0 [sflag:s1], $0x3E80  }
0x27: {  	[sflag:s1] =	ssyncset.done @!p0 $0x0  }
0x28: {  	[sflag:s1] =	ssyncadd.s32 @!p0 $0xFFFFC180  }
0x29: {  	[bflag:$0x0] =	sbarrier.arrive $0xFFFF  }
0x2a: {  	s6 =	simm.s32 $0x10;
	s5 =	rddreg [dreg:$0x10]  }
0x2b: {  	[tilespmem:s3], [sflag:$0x10] =	stream.linear.gather [hbm4b:s5+s3], $0x6400, $0x38;
	[tilespmem:$0x1C340] =	vst v63  }
0x2c: {  	_ =	swait.ge [sflag:s6], $0x6400  }
0x2d: {  	p1 =	por $0x1, $0x1;
	[sflag:s6] =	ssyncset.done $0x0  }
0x2e: {  	p1 =	por p1, p1;
	s7 =	rddreg [dreg:$0x11];
	[sflag:s6] =	ssyncadd.s32 $0xFFFF9C00  }
0x2f: {  	[tilespmem:s10], [sflag:$0x1] =	stream.linear.gather [hbm4b:s7+s3], $0x4000, $0x38;
	[tilespmem:$0x1C340] =	vst v63  }
0x30: {  	s1 =	simm.s32 @!p1 $0xD;
	s8 =	rddreg [dreg:$0x12]  }
0x31: {  	[tilespmem:s11], [sflag:$0x2] =	stream.linear.gather [hbm4b:s8+s3], $0x4000, $0x38;
	[tilespmem:$0x1C340] =	vst v63  }
0x32: {  	_ =	swait.ge @!p1 [sflag:s1], $0x4000  }
0x33: {  	s9 =	rddreg [dreg:$0xf];
	[sflag:s1] =	ssyncset.done @!p1 $0x0  }
0x34: {  	[sflag:s1] =	ssyncadd.s32 @!p1 $0xFFFFC000;
	s4 =	sadd.s32 $0x0, s9  }
0x35: {  	[tilespmem:s12], [sflag:$0x3] =	stream.linear.gather [hbm4b:s4+s3], $0x4000, $0x38;
	[tilespmem:$0x1C340] =	vst v63  }
0x36: {  	_ =	swait.ge [sflag:s13], $0x4000  }
0x37: {  	[sflag:s13] =	ssyncset.done $0x0  }
0x38: {  	[sflag:s13] =	ssyncadd.s32 $0xFFFFC000  }
0x39: {  	[tilespmem:s10], [sflag:$0x6] =	stream.indirect.gather.add.f32 [spmem:s2], $0x80, s3, s14, $0xb8;
	[tilespmem:$0x1C340] =	vst v63  }
0x3a: {  	_ =	swait.ge [sflag:s15], $0x4000  }
0x3b: {  	s5 =	rddreg [dreg:$0x8];
	[sflag:s15] =	ssyncset.done $0x0  }
0x3c: {  	s4 =	simm.s32 @!p1 $0xE;
	[sflag:s15] =	ssyncadd.s32 $0xFFFFC000;
	s1 =	sadd.s32 $0x0, s5  }
0x3d: {  	[hbm4b:s1+s3] =	stream.linear.scatter [tilespmem:s10], [sflag:$0xB], $0x4000, $0x38;
	[tilespmem:$0x1C340] =	vst v63  }
0x3e: {  	_ =	swait.ge @!p1 [sflag:s4], $0x4000  }
0x3f: {  	s6 =	rddreg [dreg:$0xc];
	[sflag:s4] =	ssyncset.done @!p1 $0x0  }
0x40: {  	[sflag:s4] =	ssyncadd.s32 @!p1 $0xFFFFC000;
	s1 =	sadd.s32 $0x0, s6  }
0x41: {  	[tilespmem:s16], [sflag:$0x4] =	stream.linear.gather [hbm4b:s1+s3], $0x4000, $0x38;
	[tilespmem:$0x1C340] =	vst v63  }
0x42: {  	_ =	swait.ge [sflag:s17], $0x4000  }
0x43: {  	[sflag:s17] =	ssyncset.done $0x0  }
0x44: {  	s7 =	simm.s32 $0x80;
	[sflag:s17] =	ssyncadd.s32 $0xFFFFC000  }
0x45: {  	[tilespmem:s11], [sflag:$0x7] =	stream.indirect.gather.add.f32 [spmem:s2], $0x80, s7, s14, $0xb8;
	[tilespmem:$0x1C340] =	vst v63  }
0x46: {  	_ =	swait.ge [sflag:s18], $0x4000  }
0x47: {  	s8 =	rddreg [dreg:$0xd];
	[sflag:s18] =	ssyncset.done $0x0  }
0x48: {  	s4 =	simm.s32 @!p1 $0xF;
	[sflag:s18] =	ssyncadd.s32 $0xFFFFC000;
	s1 =	sadd.s32 $0x0, s8  }
0x49: {  	[hbm4b:s1+s3] =	stream.linear.scatter [tilespmem:s11], [sflag:$0xC], $0x4000, $0x38;
	[tilespmem:$0x1C340] =	vst v63  }
0x4a: {  	_ =	swait.ge @!p1 [sflag:s4], $0x4000  }
0x4b: {  	s9 =	rddreg [dreg:$0xa];
	[sflag:s4] =	ssyncset.done @!p1 $0x0  }
0x4c: {  	[sflag:s4] =	ssyncadd.s32 @!p1 $0xFFFFC000;
	s1 =	sadd.s32 $0x0, s9  }
0x4d: {  	[tilespmem:s19], [sflag:$0x5] =	stream.linear.gather [hbm4b:s1+s3], $0x4000, $0x38;
	[tilespmem:$0x1C340] =	vst v63  }
0x4e: {  	_ =	swait.ge [sflag:s20], $0x4000  }
0x4f: {  	[sflag:s20] =	ssyncset.done $0x0  }
0x50: {  	s5 =	simm.s32 $0x100;
	[sflag:s20] =	ssyncadd.s32 $0xFFFFC000  }
0x51: {  	[tilespmem:s12], [sflag:$0x8] =	stream.indirect.gather.add.f32 [spmem:s2], $0x80, s5, s14, $0xb8;
	[tilespmem:$0x1C340] =	vst v63  }
0x52: {  	_ =	swait.ge [sflag:s21], $0x4000  }
0x53: {  	s6 =	rddreg [dreg:$0xe];
	[sflag:s21] =	ssyncset.done $0x0  }
0x54: {  	p1 =	por $0x0, $0x0;
	[sflag:s21] =	ssyncadd.s32 $0xFFFFC000;
	s1 =	sadd.s32 $0x0, s6  }
0x55: {  	[hbm4b:s1+s3] =	stream.linear.scatter [tilespmem:s12], [sflag:$0xD], $0x4000, $0x38;
	[tilespmem:$0x1C340] =	vst v63  }
0x56: {  	s1 =	simm.s32 @!p1 $0xB  }
0x57: {  	_ =	swait.ge @!p1 [sflag:s1], $0x4000  }
0x58: {  	s6 =	simm.s32 @!p1 $0x0;
	s4 =	rddreg [dreg:$0x7];
	[sflag:s1] =	ssyncset.done @!p1 $0x0  }
0x59: {  	[sflag:s1] =	ssyncadd.s32 @!p1 $0xFFFFC000;
	s1 =	simm.s32 @!p1 $0x6400;
	s4 =	sadd.s32 @!p1 $0x0, s4  }
0x5a: {  	[tilespmem:s1], [sflag:$0x1] =	stream.linear.gather @!p1 [hbm4b:s4+s6], $0x4000, $0x38;
	[tilespmem:$0x1C340] =	vst v63  }
0x5b: {  	_ =	swait.ge [sflag:s22], $0x4000  }
0x5c: {  	[sflag:s22] =	ssyncset.done $0x0  }
0x5d: {  	s7 =	simm.s32 $0x180;
	[sflag:s22] =	ssyncadd.s32 $0xFFFFC000  }
0x5e: {  	[tilespmem:s16], [sflag:$0x9] =	stream.indirect.gather.add.f32 [spmem:s2], $0x80, s7, s14, $0xb8;
	[tilespmem:$0x1C340] =	vst v63  }
0x5f: {  	_ =	swait.ge [sflag:s23], $0x4000  }
0x60: {  	s8 =	rddreg [dreg:$0xb];
	[sflag:s23] =	ssyncset.done $0x0  }
0x61: {  	s4 =	simm.s32 @!p1 $0xC;
	[sflag:s23] =	ssyncadd.s32 $0xFFFFC000;
	s1 =	sadd.s32 $0x0, s8  }
0x62: {  	[hbm4b:s1+s3] =	stream.linear.scatter [tilespmem:s16], [sflag:$0xE], $0x4000, $0x38;
	[tilespmem:$0x1C340] =	vst v63  }
0x63: {  	_ =	swait.ge @!p1 [sflag:s4], $0x4000  }
0x64: {  	s1 =	rddreg [dreg:$0x6];
	[sflag:s4] =	ssyncset.done @!p1 $0x0  }
0x65: {  	[sflag:s4] =	ssyncadd.s32 @!p1 $0xFFFFC000;
	s4 =	simm.s32 @!p1 $0xA400;
	s1 =	sadd.s32 @!p1 $0x0, s1  }
0x66: {  	[tilespmem:s4], [sflag:$0x2] =	stream.linear.gather @!p1 [hbm4b:s1+s6], $0x4000, $0x38;
	[tilespmem:$0x1C340] =	vst v63  }
0x67: {  	_ =	swait.ge [sflag:s24], $0x4000  }
0x68: {  	[sflag:s24] =	ssyncset.done $0x0  }
0x69: {  	p6 =	por $0x0, $0x0;
	s9 =	simm.s32 $0x200;
	[sflag:s24] =	ssyncadd.s32 $0xFFFFC000  }
0x6a: {  	[tilespmem:s19], [sflag:$0xA] =	stream.indirect.gather.add.f32 [spmem:s2], $0x80, s9, s14, $0xb8;
	[tilespmem:$0x1C340] =	vst v63  }
0x6b: {  	s7 =	simm.s32 $0x0;
	s1 =	simm.s32 $0x2800;
	_ =	swait.ge [sflag:s25], $0x4000  }
0x6c: {  	s6 =	simm.s32 $0x5000;
	p1 =	por p6, p6;
	[sflag:s25] =	ssyncset.done $0x0  }
0x6d: {  	s4 =	simm.s32 $0x280;
	s8 =	rddreg [dreg:$0x9];
	[sflag:s25] =	ssyncadd.s32 $0xFFFFC000  }
.LBB2_2:
0x6e: {  	s5 =	simm.s32 @!p1 $0xD;
	s8 =	sadd.s32 s7, s8  }
0x6f: {  	[hbm4b:s8+s3] =	stream.linear.scatter [tilespmem:s19], [sflag:$0xF], $0x4000, $0x38;
	[tilespmem:$0x1C340] =	vst v63  }
0x70: {  	_ =	swait.ge @!p1 [sflag:s5], $0x4000  }
0x71: {  	s7 =	smov.u32 s1;
	[sflag:s5] =	ssyncset.done @!p1 $0x0;
	s9 =	rddreg [dreg:$0xf]  }
0x72: {  	[sflag:s5] =	ssyncadd.s32 @!p1 $0xFFFFC000;
	s9 =	sadd.s32 s7, s9  }
0x73: {  	[tilespmem:s12], [sflag:$0x3] =	stream.linear.gather [hbm4b:s9+s3], $0x4000, $0x38;
	[tilespmem:$0x1C340] =	vst v63  }
0x74: {  	_ =	swait.ge [sflag:s13], $0x4000  }
0x75: {  	[sflag:s13] =	ssyncset.done $0x0  }
0x76: {  	[sflag:s13] =	ssyncadd.s32 $0xFFFFC000  }
0x77: {  	[tilespmem:s10], [sflag:$0x6] =	stream.indirect.gather.add.f32 [spmem:s2], $0x80, s4, s14, $0xb8;
	[tilespmem:$0x1C340] =	vst v63  }
0x78: {  	_ =	swait.ge [sflag:s15], $0x4000  }
0x79: {  	s8 =	rddreg [dreg:$0x8];
	[sflag:s15] =	ssyncset.done $0x0  }
0x7a: {  	[sflag:s15] =	ssyncadd.s32 $0xFFFFC000;
	s5 =	sadd.s32 s7, s8;
	s8 =	simm.s32 @!p1 $0xE  }
0x7b: {  	[hbm4b:s5+s3] =	stream.linear.scatter [tilespmem:s10], [sflag:$0xB], $0x4000, $0x38;
	[tilespmem:$0x1C340] =	vst v63  }
0x7c: {  	_ =	swait.ge @!p1 [sflag:s8], $0x4000  }
0x7d: {  	s9 =	rddreg [dreg:$0xc];
	[sflag:s8] =	ssyncset.done @!p1 $0x0  }
0x7e: {  	[sflag:s8] =	ssyncadd.s32 @!p1 $0xFFFFC000;
	s5 =	sadd.s32 s7, s9  }
0x7f: {  	[tilespmem:s16], [sflag:$0x4] =	stream.linear.gather [hbm4b:s5+s3], $0x4000, $0x38;
	[tilespmem:$0x1C340] =	vst v63  }
0x80: {  	_ =	swait.ge [sflag:s17], $0x4000  }
0x81: {  	[sflag:s17] =	ssyncset.done $0x0  }
0x82: {  	s9 =	sadd.s32 $0x80, s4;
	[sflag:s17] =	ssyncadd.s32 $0xFFFFC000  }
0x83: {  	[tilespmem:s11], [sflag:$0x7] =	stream.indirect.gather.add.f32 [spmem:s2], $0x80, s9, s14, $0xb8;
	[tilespmem:$0x1C340] =	vst v63  }
0x84: {  	_ =	swait.ge [sflag:s18], $0x4000  }
0x85: {  	s8 =	rddreg [dreg:$0xd];
	[sflag:s18] =	ssyncset.done $0x0  }
0x86: {  	[sflag:s18] =	ssyncadd.s32 $0xFFFFC000;
	s5 =	sadd.s32 s7, s8;
	s8 =	simm.s32 @!p1 $0xF  }
0x87: {  	[hbm4b:s5+s3] =	stream.linear.scatter [tilespmem:s11], [sflag:$0xC], $0x4000, $0x38;
	[tilespmem:$0x1C340] =	vst v63  }
0x88: {  	_ =	swait.ge @!p1 [sflag:s8], $0x4000  }
0x89: {  	s9 =	rddreg [dreg:$0xa];
	[sflag:s8] =	ssyncset.done @!p1 $0x0  }
0x8a: {  	[sflag:s8] =	ssyncadd.s32 @!p1 $0xFFFFC000;
	s5 =	sadd.s32 s7, s9  }
0x8b: {  	[tilespmem:s19], [sflag:$0x5] =	stream.linear.gather [hbm4b:s5+s3], $0x4000, $0x38;
	[tilespmem:$0x1C340] =	vst v63  }
0x8c: {  	_ =	swait.ge [sflag:s20], $0x4000  }
0x8d: {  	[sflag:s20] =	ssyncset.done $0x0  }
0x8e: {  	s8 =	sadd.s32 $0x100, s4;
	[sflag:s20] =	ssyncadd.s32 $0xFFFFC000  }
0x8f: {  	[tilespmem:s12], [sflag:$0x8] =	stream.indirect.gather.add.f32 [spmem:s2], $0x80, s8, s14, $0xb8;
	[tilespmem:$0x1C340] =	vst v63  }
0x90: {  	p3 =	seq.s32 s6, $0x0;
	_ =	swait.ge [sflag:s21], $0x4000  }
0x91: {  	p1 =	por p3, p3;
	s9 =	rddreg [dreg:$0xe];
	[sflag:s21] =	ssyncset.done $0x0  }
0x92: {  	p3 =	seq.s32 s7, $0x61800;
	[sflag:s21] =	ssyncadd.s32 $0xFFFFC000;
	s5 =	sadd.s32 s7, s9  }
0x93: {  	[hbm4b:s5+s3] =	stream.linear.scatter [tilespmem:s12], [sflag:$0xD], $0x4000, $0x38;
	[tilespmem:$0x1C340] =	vst v63  }
0x94: {  	s5 =	simm.s32 @!p3 $0xB  }
0x95: {  	_ =	swait.ge @!p3 [sflag:s5], $0x4000  }
0x96: {  	s9 =	simm.s32 @!p3 $0x0;
	[sflag:s5] =	ssyncset.done @!p3 $0x0;
	s8 =	rddreg [dreg:$0x7]  }
0x97: {  	[sflag:s5] =	ssyncadd.s32 @!p3 $0xFFFFC000;
	s5 =	simm.s32 @!p3 $0x6400;
	s8 =	sadd.s32 @!p3 s7, s8  }
0x98: {  	[tilespmem:s5], [sflag:$0x1] =	stream.linear.gather @!p3 [hbm4b:s8+s9], $0x4000, $0x38;
	[tilespmem:$0x1C340] =	vst v63  }
0x99: {  	_ =	swait.ge [sflag:s22], $0x4000  }
0x9a: {  	[sflag:s22] =	ssyncset.done $0x0  }
0x9b: {  	s8 =	sadd.s32 $0x180, s4;
	[sflag:s22] =	ssyncadd.s32 $0xFFFFC000  }
0x9c: {  	[tilespmem:s16], [sflag:$0x9] =	stream.indirect.gather.add.f32 [spmem:s2], $0x80, s8, s14, $0xb8;
	[tilespmem:$0x1C340] =	vst v63  }
0x9d: {  	_ =	swait.ge [sflag:s23], $0x4000  }
0x9e: {  	s8 =	rddreg [dreg:$0xb];
	[sflag:s23] =	ssyncset.done $0x0  }
0x9f: {  	[sflag:s23] =	ssyncadd.s32 $0xFFFFC000;
	s5 =	sadd.s32 s7, s8;
	s8 =	simm.s32 @!p3 $0xC  }
0xa0: {  	[hbm4b:s5+s3] =	stream.linear.scatter [tilespmem:s16], [sflag:$0xE], $0x4000, $0x38;
	[tilespmem:$0x1C340] =	vst v63  }
0xa1: {  	_ =	swait.ge @!p3 [sflag:s8], $0x4000  }
0xa2: {  	[sflag:s8] =	ssyncset.done @!p3 $0x0;
	s5 =	rddreg [dreg:$0x6]  }
0xa3: {  	[sflag:s8] =	ssyncadd.s32 @!p3 $0xFFFFC000;
	s8 =	simm.s32 @!p3 $0xA400;
	s5 =	sadd.s32 @!p3 s7, s5  }
0xa4: {  	[tilespmem:s8], [sflag:$0x2] =	stream.linear.gather @!p3 [hbm4b:s5+s9], $0x4000, $0x38;
	[tilespmem:$0x1C340] =	vst v63  }
0xa5: {  	s1 =	smov.u32 s6;
	s6 =	sadd.s32 $0x2800, s6;
	_ =	swait.ge [sflag:s24], $0x4000  }
0xa6: {  	p2 =	sne.s32 s6, $0x64000;
	[sflag:s24] =	ssyncset.done $0x0  }
.Ltmp0:
0xa7: {  	s9 =	sadd.s32 $0x200, s4;
	[sflag:s24] =	ssyncadd.s32 $0xFFFFC000;
	(pc) =	sbr.rel @p2 .LBB2_2-.Ltmp0, $4  }
0xa8: {  	[tilespmem:s19], [sflag:$0xA] =	stream.indirect.gather.add.f32 [spmem:s2], $0x80, s9, s14, $0xb8;
	[tilespmem:$0x1C340] =	vst v63  }
0xa9: {  	_ =	swait.ge [sflag:s25], $0x4000  }
0xaa: {  	[sflag:s25] =	ssyncset.done $0x0  }
0xab: {  	s4 =	sadd.s32 $0x280, s4;
	s8 =	rddreg [dreg:$0x9];
	[sflag:s25] =	ssyncadd.s32 $0xFFFFC000  }
0xac: {  	s5 =	simm.s32 @!p1 $0xD;
	s6 =	sadd.s32 s7, s8  }
0xad: {  	[hbm4b:s6+s3] =	stream.linear.scatter [tilespmem:s19], [sflag:$0xF], $0x4000, $0x38;
	[tilespmem:$0x1C340] =	vst v63  }
0xae: {  	_ =	swait.ge @!p1 [sflag:s5], $0x4000  }
0xaf: {  	s9 =	rddreg [dreg:$0xf];
	[sflag:s5] =	ssyncset.done @!p1 $0x0  }
0xb0: {  	[sflag:s5] =	ssyncadd.s32 @!p1 $0xFFFFC000;
	s7 =	sadd.s32 s1, s9  }
0xb1: {  	[tilespmem:s12], [sflag:$0x3] =	stream.linear.gather [hbm4b:s7+s3], $0x4000, $0x38;
	[tilespmem:$0x1C340] =	vst v63  }
0xb2: {  	_ =	swait.ge [sflag:s13], $0x4000  }
0xb3: {  	[sflag:s13] =	ssyncset.done $0x0  }
0xb4: {  	[sflag:s13] =	ssyncadd.s32 $0xFFFFC000  }
0xb5: {  	[tilespmem:s10], [sflag:$0x6] =	stream.indirect.gather.add.f32 [spmem:s2], $0x80, s4, s14, $0xb8;
	[tilespmem:$0x1C340] =	vst v63  }
0xb6: {  	_ =	swait.ge [sflag:s15], $0x4000  }
0xb7: {  	s8 =	rddreg [dreg:$0x8];
	[sflag:s15] =	ssyncset.done $0x0  }
0xb8: {  	s6 =	simm.s32 @!p1 $0xE;
	[sflag:s15] =	ssyncadd.s32 $0xFFFFC000;
	s5 =	sadd.s32 s1, s8  }
0xb9: {  	[hbm4b:s5+s3] =	stream.linear.scatter [tilespmem:s10], [sflag:$0xB], $0x4000, $0x38;
	[tilespmem:$0x1C340] =	vst v63  }
0xba: {  	_ =	swait.ge @!p1 [sflag:s6], $0x4000  }
0xbb: {  	s9 =	rddreg [dreg:$0xc];
	[sflag:s6] =	ssyncset.done @!p1 $0x0  }
0xbc: {  	[sflag:s6] =	ssyncadd.s32 @!p1 $0xFFFFC000;
	s5 =	sadd.s32 s1, s9  }
0xbd: {  	[tilespmem:s16], [sflag:$0x4] =	stream.linear.gather [hbm4b:s5+s3], $0x4000, $0x38;
	[tilespmem:$0x1C340] =	vst v63  }
0xbe: {  	_ =	swait.ge [sflag:s17], $0x4000  }
0xbf: {  	[sflag:s17] =	ssyncset.done $0x0  }
0xc0: {  	s7 =	sadd.s32 $0x80, s4;
	[sflag:s17] =	ssyncadd.s32 $0xFFFFC000  }
0xc1: {  	[tilespmem:s11], [sflag:$0x7] =	stream.indirect.gather.add.f32 [spmem:s2], $0x80, s7, s14, $0xb8;
	[tilespmem:$0x1C340] =	vst v63  }
0xc2: {  	_ =	swait.ge [sflag:s18], $0x4000  }
0xc3: {  	s8 =	rddreg [dreg:$0xd];
	[sflag:s18] =	ssyncset.done $0x0  }
0xc4: {  	s6 =	simm.s32 @!p1 $0xF;
	[sflag:s18] =	ssyncadd.s32 $0xFFFFC000;
	s5 =	sadd.s32 s1, s8  }
0xc5: {  	[hbm4b:s5+s3] =	stream.linear.scatter [tilespmem:s11], [sflag:$0xC], $0x4000, $0x38;
	[tilespmem:$0x1C340] =	vst v63  }
0xc6: {  	_ =	swait.ge @!p1 [sflag:s6], $0x4000  }
0xc7: {  	s9 =	rddreg [dreg:$0xa];
	[sflag:s6] =	ssyncset.done @!p1 $0x0  }
0xc8: {  	[sflag:s6] =	ssyncadd.s32 @!p1 $0xFFFFC000;
	s5 =	sadd.s32 s1, s9  }
0xc9: {  	[tilespmem:s19], [sflag:$0x5] =	stream.linear.gather [hbm4b:s5+s3], $0x4000, $0x38;
	[tilespmem:$0x1C340] =	vst v63  }
0xca: {  	_ =	swait.ge [sflag:s20], $0x4000  }
0xcb: {  	[sflag:s20] =	ssyncset.done $0x0  }
0xcc: {  	s6 =	sadd.s32 $0x100, s4;
	[sflag:s20] =	ssyncadd.s32 $0xFFFFC000  }
0xcd: {  	[tilespmem:s12], [sflag:$0x8] =	stream.indirect.gather.add.f32 [spmem:s2], $0x80, s6, s14, $0xb8;
	[tilespmem:$0x1C340] =	vst v63  }
0xce: {  	_ =	swait.ge [sflag:s21], $0x4000  }
0xcf: {  	s7 =	rddreg [dreg:$0xe];
	[sflag:s21] =	ssyncset.done $0x0  }
0xd0: {  	p1 =	seq.s32 s1, $0x61800;
	[sflag:s21] =	ssyncadd.s32 $0xFFFFC000;
	s5 =	sadd.s32 s1, s7  }
0xd1: {  	[hbm4b:s5+s3] =	stream.linear.scatter [tilespmem:s12], [sflag:$0xD], $0x4000, $0x38;
	[tilespmem:$0x1C340] =	vst v63  }
0xd2: {  	s5 =	simm.s32 @!p1 $0xB  }
0xd3: {  	_ =	swait.ge @!p1 [sflag:s5], $0x4000  }
0xd4: {  	s7 =	simm.s32 @!p1 $0x0;
	s6 =	rddreg [dreg:$0x7];
	[sflag:s5] =	ssyncset.done @!p1 $0x0  }
0xd5: {  	[sflag:s5] =	ssyncadd.s32 @!p1 $0xFFFFC000;
	s5 =	simm.s32 @!p1 $0x6400;
	s6 =	sadd.s32 @!p1 s1, s6  }
0xd6: {  	[tilespmem:s5], [sflag:$0x1] =	stream.linear.gather @!p1 [hbm4b:s6+s7], $0x4000, $0x38;
	[tilespmem:$0x1C340] =	vst v63  }
0xd7: {  	_ =	swait.ge [sflag:s22], $0x4000  }
0xd8: {  	[sflag:s22] =	ssyncset.done $0x0  }
0xd9: {  	s8 =	sadd.s32 $0x180, s4;
	[sflag:s22] =	ssyncadd.s32 $0xFFFFC000  }
0xda: {  	[tilespmem:s16], [sflag:$0x9] =	stream.indirect.gather.add.f32 [spmem:s2], $0x80, s8, s14, $0xb8;
	[tilespmem:$0x1C340] =	vst v63  }
0xdb: {  	_ =	swait.ge [sflag:s23], $0x4000  }
0xdc: {  	s9 =	rddreg [dreg:$0xb];
	[sflag:s23] =	ssyncset.done $0x0  }
0xdd: {  	s6 =	simm.s32 @!p1 $0xC;
	[sflag:s23] =	ssyncadd.s32 $0xFFFFC000;
	s5 =	sadd.s32 s1, s9  }
0xde: {  	[hbm4b:s5+s3] =	stream.linear.scatter [tilespmem:s16], [sflag:$0xE], $0x4000, $0x38;
	[tilespmem:$0x1C340] =	vst v63  }
0xdf: {  	_ =	swait.ge @!p1 [sflag:s6], $0x4000  }
0xe0: {  	s5 =	rddreg [dreg:$0x6];
	[sflag:s6] =	ssyncset.done @!p1 $0x0  }
0xe1: {  	[sflag:s6] =	ssyncadd.s32 @!p1 $0xFFFFC000;
	s6 =	simm.s32 @!p1 $0xA400;
	s5 =	sadd.s32 @!p1 s1, s5  }
0xe2: {  	[tilespmem:s6], [sflag:$0x2] =	stream.linear.gather @!p1 [hbm4b:s5+s7], $0x4000, $0x38;
	[tilespmem:$0x1C340] =	vst v63  }
0xe3: {  	_ =	swait.ge [sflag:s24], $0x4000  }
0xe4: {  	[sflag:s24] =	ssyncset.done $0x0  }
0xe5: {  	s6 =	sadd.s32 $0x200, s4;
	[sflag:s24] =	ssyncadd.s32 $0xFFFFC000  }
0xe6: {  	[tilespmem:s19], [sflag:$0xA] =	stream.indirect.gather.add.f32 [spmem:s2], $0x80, s6, s14, $0xb8;
	[tilespmem:$0x1C340] =	vst v63  }
0xe7: {  	_ =	swait.ge [sflag:s25], $0x4000  }
0xe8: {  	s7 =	rddreg [dreg:$0x9];
	[sflag:s25] =	ssyncset.done $0x0  }
0xe9: {  	s8 =	sadd.s32 s1, s7;
	[sflag:s25] =	ssyncadd.s32 $0xFFFFC000  }
0xea: {  	[hbm4b:s8+s3] =	stream.linear.scatter [tilespmem:s19], [sflag:$0xF], $0x4000, $0x38;
	[tilespmem:$0x1C340] =	vst v63  }
0xeb: {  	_ =	swait.ge [sflag:s26], $0x4000  }
0xec: {  	[sflag:s26] =	ssyncset.done $0x0  }
0xed: {  	[sflag:s26] =	ssyncadd.s32 $0xFFFFC000  }
0xee: {  	_ =	swait.ge [sflag:s28], $0x4000  }
0xef: {  	[sflag:s28] =	ssyncset.done $0x0  }
0xf0: {  	[sflag:s28] =	ssyncadd.s32 $0xFFFFC000  }
0xf1: {  	_ =	swait.ge [sflag:s29], $0x4000  }
0xf2: {  	[sflag:s29] =	ssyncset.done $0x0  }
0xf3: {  	[sflag:s29] =	ssyncadd.s32 $0xFFFFC000  }
0xf4: {  	_ =	swait.ge [sflag:s30], $0x4000  }
0xf5: {  	[sflag:s30] =	ssyncset.done $0x0  }
0xf6: {  	[sflag:s30] =	ssyncadd.s32 $0xFFFFC000  }
0xf7: {  	_ =	swait.ge [sflag:s31], $0x4000  }
0xf8: {  	s0 =	sadd.s32 $0x1, s0;
	s9 =	rddreg [dreg:$0x13]  }
0xf9: {  	p1 =	sne.s32 s0, s9  }
.Ltmp1:
0xfa: {  	_ = 	snop;
	(pc) =	sbr.rel @p1 .LBB2_1-.Ltmp1, $3  }
0xfb: {  	_ =	sdelay $0x1  }
0xfc: {  	[sflag:s31] =	ssyncset.done $0x0  }
0xfd: {  	[sflag:s31] =	ssyncadd.s32 $0xFFFFC000  }
0xfe: {  	_ =	sfence.sel $0x180000  }
0xff: {  	[bflag:$0x0] =	sbarrier.arrive $0xFFFF  }
0x100: {  	_ =	strace $0x90000047  }
0x101: {  	[bflag:$0x2] =	sbarrier.arrive $0xFFFF  }
0x102: {  	s0 =	rddreg [dreg:$0x5]  }
0x103: {  	s0 =	sadd.s32 @!p0 $0x100000, s0  }
0x104: {  	[sflag:s0] =	ssyncadd.tile.s32 @!p0 $0x1;
	_ =	shalt  }
.Lfunc_end2:
_tile_overlayer_lowered:
.L_overlay_start_2:
0x105: {  	(tag) =	ssettag $0x2  }
0x106: {  	s0 =	rddreg [dreg:$0x0];
	s2 =	stileid.u32  }
0x107: {  	s1 =	rddreg [dreg:$0x1];
	p0 =	sne.s32 s2, $0x0  }
0x108: {  	s3 =	rddreg [dreg:$0x2];
	[bflag:$0x3] =	sbarrier.arrive $0xFFFF;
	s2 =	simm.s32 @!p0 $0x1C10  }
0x109: {  	[timem:s3], [sflag:s2] =	dma.local @!p0 [hbm:s0], s1  }
0x10a: {  	s0 =	simm.s32 @!p0 $0x10  }
0x10b: {  	_ =	swait.ge @!p0 [sflag:s0], s1  }
0x10c: {  	s1 =	ssub.s32 @!p0 $0x0, s1;
	[sflag:s0] =	ssyncset.done @!p0 $0x0  }
0x10d: {  	[sflag:s0] =	ssyncadd.s32 @!p0 s1  }
0x10e: {  	[bflag:$0x3] =	sbarrier.arrive $0xFFFF  }
0x10f: {  	_ =	shalt  }

</sc_bundles>
